<compile_context>
chip_gen: v7x
topology: tpu7x:2x2x1
jax: 0.10.2.dev20260603
libtpu: 0.0.44.dev20260713+nightly
codegen_flags: <defaults>
</compile_context>

<pallas_src>
import jax
import jax.numpy as jnp
from jax import lax
from jax.experimental import pallas as pl
from jax.experimental.pallas import tpu as pltpu
from jax.experimental.pallas import tpu_sc as plsc

N = 10000
E = 320000
D = 128
G = 16

NC = 2
NS = 16
NW = NC * NS

CH = 128
NBUF = 2
IBUF = 4
NPAIR = 160
NIT0 = 124
NIT1 = NPAIR - NIT0
NIT = NPAIR // 2
EPT = NIT * CH
E_PAD = NPAIR * NS * CH
N_SH = 10240
ZCH = N_SH // NS // CH
WB = 632
N_P = WB * NS

B = 1000
NB = N // B


def _sc_agg_body(x_hbm, et_hbm, z_hbm, parts_hbm,
                 idx_r, rows_r, agg_sh, semi, semg):
    cid = lax.axis_index("c")
    sid = lax.axis_index("s")
    base = sid * NPAIR + cid * NIT0
    cnt = jnp.where(cid == 0, NIT0, NIT1)

    def idx_load(ck, j):
        pltpu.async_copy(et_hbm.at[base + ck], idx_r.at[j], semi.at[j])

    def idx_wait(ck, j):
        pltpu.make_async_copy(et_hbm.at[base + ck], idx_r.at[j],
                              semi.at[j]).wait()

    def row_gather(j, b):
        pltpu.async_copy(x_hbm.at[idx_r.at[j, 0]], rows_r.at[b], semg.at[b])

    def row_wait(j, b):
        pltpu.make_async_copy(x_hbm.at[idx_r.at[j, 0]], rows_r.at[b],
                              semg.at[b]).wait()

    pltpu.sync_copy(z_hbm, rows_r.at[0])
    def _zero(k, c):
        pltpu.sync_copy(rows_r.at[0],
                        agg_sh.at[pl.ds(sid * ZCH * CH + k * CH, CH)])
        return c
    lax.fori_loop(0, ZCH, _zero, 0)
    plsc.subcore_barrier()

    for j in range(IBUF):
        idx_load(j, j)
    for b in range(NBUF):
        idx_wait(b, b)
        row_gather(b, b)

    UN = IBUF
    def _round(g, c):
        base = g * UN
        for u in range(UN):
            it = base + u
            b = u % NBUF
            j = u % IBUF
            row_wait(j, b)
            pltpu.sync_copy(rows_r.at[b], agg_sh.at[idx_r.at[j, 1]],
                            add=True)
            nid = it + IBUF

            @pl.when(nid < cnt)
            def _refill():
                idx_load(nid, j)
            ngt = it + NBUF
            j2 = (u + NBUF) % IBUF

            @pl.when(ngt < cnt)
            def _next_gather():
                idx_wait(ngt, j2)
                row_gather(j2, b)
        return c
    lax.fori_loop(0, cnt // UN, _round, 0)
    plsc.subcore_barrier()

    pltpu.sync_copy(agg_sh.at[pl.ds(sid * WB, WB)],
                    parts_hbm.at[cid, pl.ds(sid * WB, WB)])


_sc_agg = pl.kernel(
    _sc_agg_body,
    out_type=jax.ShapeDtypeStruct((NC, N_P, D), jnp.float32),
    mesh=plsc.VectorSubcoreMesh(core_axis_name="c", subcore_axis_name="s"),
    scratch_types=[
        pltpu.VMEM((IBUF, 2, CH), jnp.int32),
        pltpu.VMEM((NBUF, CH, D), jnp.float32),
        pltpu.VMEM_SHARED((N_SH, D), jnp.float32),
        pltpu.SemaphoreType.DMA((IBUF,)),
        pltpu.SemaphoreType.DMA((NBUF,)),
    ],
)


def _tc_body(eps_ref, x_ref, parts_ref, oh_ref, W1_ref, b1_ref, W2_ref,
             b2_ref, vnW_ref, vnb_ref, gamma_ref, beta_ref, out_ref,
             h_s, vn_s, vno_s):
    i = pl.program_id(0)

    @pl.when(i < NB)
    def _phase_a():
        xb = x_ref[...]
        aggb = parts_ref[0] + parts_ref[1]
        h0 = (1.0 + eps_ref[0, 0]) * xb + aggb
        h1 = jnp.maximum(
            jnp.dot(h0, W1_ref[...], preferred_element_type=jnp.float32)
            + b1_ref[...], 0.0)
        h2 = (jnp.dot(h1, W2_ref[...], preferred_element_type=jnp.float32)
              + b2_ref[...])
        hb = xb + h2
        h_s[pl.ds(i * B, B), :] = hb
        contrib = lax.dot_general(oh_ref[...], hb, (((0,), (0,)), ((), ())),
                                  preferred_element_type=jnp.float32)

        @pl.when(i == 0)
        def _init():
            vn_s[...] = contrib

        @pl.when(i > 0)
        def _acc():
            vn_s[...] = vn_s[...] + contrib

    @pl.when(i == NB)
    def _phase_b():
        vn = vn_s[...]
        mean = jnp.mean(vn, axis=0, keepdims=True)
        var = jnp.mean((vn - mean) ** 2, axis=0, keepdims=True)
        vn_n = ((vn - mean) * lax.rsqrt(var + 1e-5) * gamma_ref[...]
                + beta_ref[...])
        vno_s[...] = jnp.maximum(
            jnp.dot(vn_n, vnW_ref[...], preferred_element_type=jnp.float32)
            + vnb_ref[...], 0.0)

    @pl.when(i > NB)
    def _phase_c():
        j = i - NB - 1
        hb = h_s[pl.ds(j * B, B), :]
        out_ref[...] = hb + jnp.dot(oh_ref[...], vno_s[...],
                                    preferred_element_type=jnp.float32)


def _tc_call(eps2, x, parts, onehot, W1, b1, W2, b2, vn_W, vn_b, gamma, beta):
    ia = lambda i: (jnp.minimum(i, NB - 1), 0)
    ic = lambda i: (jnp.clip(i - NB - 1, 0, NB - 1), 0)
    grid = 2 * NB + 1
    return pl.pallas_call(
        _tc_body,
        grid=(grid,),
        in_specs=[
            pl.BlockSpec(memory_space=pltpu.SMEM),
            pl.BlockSpec((B, D), ia),
            pl.BlockSpec((NC, B, D),
                         lambda i: (0, jnp.minimum(i, NB - 1), 0)),
            pl.BlockSpec((B, G),
                         lambda i: (jnp.where(i < NB, i,
                                              jnp.clip(i - NB - 1, 0, NB - 1)),
                                    0)),
            pl.BlockSpec((D, D), lambda i: (0, 0)),
            pl.BlockSpec((1, D), lambda i: (0, 0)),
            pl.BlockSpec((D, D), lambda i: (0, 0)),
            pl.BlockSpec((1, D), lambda i: (0, 0)),
            pl.BlockSpec((D, D), lambda i: (0, 0)),
            pl.BlockSpec((1, D), lambda i: (0, 0)),
            pl.BlockSpec((1, D), lambda i: (0, 0)),
            pl.BlockSpec((1, D), lambda i: (0, 0)),
        ],
        out_specs=pl.BlockSpec((B, D), ic),
        out_shape=jax.ShapeDtypeStruct((N, D), jnp.float32),
        scratch_shapes=[
            pltpu.VMEM((N, D), jnp.float32),
            pltpu.VMEM((G, D), jnp.float32),
            pltpu.VMEM((G, D), jnp.float32),
        ],
        compiler_params=pltpu.CompilerParams(
            dimension_semantics=("arbitrary",)),
    )(eps2, x, parts, onehot, W1, b1, W2, b2, vn_W, vn_b, gamma, beta)


def kernel(x, edge_index, graph_ids, W1, b1, W2, b2, eps, vn_W, vn_b,
           gamma, beta):
    src = edge_index[0]
    dst = edge_index[1]
    pad = E_PAD - E
    srcp = jnp.concatenate([src, jnp.zeros((pad,), jnp.int32)])
    dstp = jnp.concatenate([dst, jnp.full((pad,), N, jnp.int32)])
    et = jnp.stack([srcp.reshape(NS * NPAIR, CH), dstp.reshape(NS * NPAIR, CH)],
                   axis=1)
    zblk = jnp.zeros((CH, D), jnp.float32)

    parts = _sc_agg(x, et, zblk)

    onehot = (graph_ids[:, None]
              == jnp.arange(G, dtype=jnp.int32)[None, :]).astype(jnp.float32)
    return _tc_call(eps.reshape(1, 1), x, parts, onehot, W1,
                    b1.reshape(1, D), W2, b2.reshape(1, D), vn_W,
                    vn_b.reshape(1, D), gamma.reshape(1, D),
                    beta.reshape(1, D))

# --- scband reference (transcript-rebuilt; emitter-appended) ---
"""Pipeline reference for scband-mpnn-layer-37924561223840 (READ-ONLY COPY).

The authoritative reference and input builder live on the scoring server;
editing this copy changes nothing except your own understanding.
"""

import jax, jax.numpy as jnp
import numpy as np

N, E, D, G = 10000, 320000, 128, 16

def setup_inputs(seed: int = 0) -> dict:
    key = jax.random.key(seed)
    ks = jax.random.split(key, 12)
    x = jax.random.normal(ks[0], (N, D), dtype=jnp.float32)
    edge_index = jax.random.randint(ks[1], (2, E), 0, N, dtype=jnp.int32)
    graph_ids = jnp.sort(jax.random.randint(ks[2], (N,), 0, G, dtype=jnp.int32))
    s = 1.0 / np.sqrt(D)
    W1 = jax.random.normal(ks[3], (D, D), dtype=jnp.float32) * s
    b1 = jnp.zeros((D,), dtype=jnp.float32)
    W2 = jax.random.normal(ks[4], (D, D), dtype=jnp.float32) * s
    b2 = jnp.zeros((D,), dtype=jnp.float32)
    eps = jnp.zeros((), dtype=jnp.float32)
    vn_W = jax.random.normal(ks[5], (D, D), dtype=jnp.float32) * s
    vn_b = jnp.zeros((D,), dtype=jnp.float32)
    gamma = jnp.ones((D,), dtype=jnp.float32)
    beta = jnp.zeros((D,), dtype=jnp.float32)
    return {"x": x, "edge_index": edge_index, "graph_ids": graph_ids,
            "W1": W1, "b1": b1, "W2": W2, "b2": b2, "eps": eps,
            "vn_W": vn_W, "vn_b": vn_b, "gamma": gamma, "beta": beta}

def reference(x, edge_index, graph_ids, W1, b1, W2, b2, eps, vn_W, vn_b, gamma, beta):
    # GIN message passing: sum-aggregate neighbor features (memory-bound gather+scatter)
    src = edge_index[0]
    dst = edge_index[1]
    msgs = jnp.take(x, src, axis=0)
    agg = jax.ops.segment_sum(msgs, dst, num_segments=N)
    h = (1.0 + eps) * x + agg
    # GIN MLP
    h = jnp.maximum(jnp.dot(h, W1) + b1, 0.0)
    h = jnp.dot(h, W2) + b2
    # residual
    h = x + h
    # virtual node: sum-pool per graph (vn_pooling='sum')
    vn = jax.ops.segment_sum(h, graph_ids, num_segments=G)
    # batchnorm over the graph dimension (vn_norm_first=True, vn_norm_type='batchnorm')
    mean = jnp.mean(vn, axis=0, keepdims=True)
    var = jnp.var(vn, axis=0, keepdims=True)
    vn_n = (vn - mean) / jnp.sqrt(var + 1e-5) * gamma + beta
    # virtual node MLP then broadcast back to nodes
    vn_out = jnp.maximum(jnp.dot(vn_n, vn_W) + vn_b, 0.0)
    out = h + jnp.take(vn_out, graph_ids, axis=0)
    return out

if __name__ == "__main__":
    import jax
    _d = setup_inputs()
    print(jax.jit(kernel)(*tuple(_d.values())))

</pallas_src>

<mosaic_0001>
#map = affine_map<(d0, d1) -> (0, 0)>
#map1 = affine_map<(d0, d1) -> (0, 0, 0)>
module attributes {stable_mosaic.version = 14 : i64} {
  func.func @_sc_agg_body(%arg0: i32, %arg1: i32, %arg2: memref<10000x128xf32, #tpu.memory_space<hbm>>, %arg3: memref<2560x2x128xi32, #tpu.memory_space<hbm>>, %arg4: memref<128x128xf32, #tpu.memory_space<hbm>>, %arg5: memref<2x10112x128xf32, #tpu.memory_space<hbm>>, %arg6: memref<4x2x128xi32, #tpu.memory_space<vmem>>, %arg7: memref<2x128x128xf32, #tpu.memory_space<vmem>>, %arg8: memref<10240x128xf32, #tpu.memory_space<vmem_shared>>, %arg9: memref<4x!tpu.dma_semaphore, #tpu.memory_space<semaphore_mem>>, %arg10: memref<2x!tpu.dma_semaphore, #tpu.memory_space<semaphore_mem>>) attributes {dimension_semantics = [#tpu.dimension_semantics<core_parallel>, #tpu.dimension_semantics<subcore_parallel>], iteration_bounds = array<i64: 2, 16>, scalar_prefetch = 0 : i64, scratch_operands = 5 : i64, tpu.core_type = #tpu.core_type<sc_vector_subcore>, window_params = [{transform_indices = #map}, {transform_indices = #map1}, {transform_indices = #map}, {transform_indices = #map1}]} {
    %mul3A = arith.constant 160 : i32
    %mul3A_0 = arith.muli %arg1, %mul3A : i32
    %mul3A_1 = arith.constant 124 : i32
    %mul3A_2 = arith.muli %arg0, %mul3A_1 : i32
    %add3A = arith.addi %mul3A_0, %mul3A_2 : i32
    %eq3A = arith.constant 0 : i32
    %eq3A_3 = arith.cmpi eq, %arg0, %eq3A : i32
    %jit3A = arith.constant 124 : i32
    %jit3A_4 = arith.constant 36 : i32
    %select_n3A = arith.select %eq3A_3, %jit3A, %jit3A_4 : i32
    %run_scoped3A = arith.constant 0 : i32
    "tpu.region"() ({
      %run_scoped3A_204 = tpu.sem_alloc : memref<!tpu.dma_semaphore, #tpu.memory_space<semaphore_mem>>
      %dma_start3A_205 = arith.constant 0 : i32
      %dma_start3A_206 = arith.constant 0 : i32
      %dma_start3A_207 = tpu.memref_slice %arg7[%run_scoped3A, %dma_start3A_205, %dma_start3A_206] : memref<2x128x128xf32, #tpu.memory_space<vmem>> -> memref<1x128x128xf32, #tpu.memory_space<vmem>>
      %dma_start3A_208 = tpu.memref_squeeze %dma_start3A_207 : memref<1x128x128xf32, #tpu.memory_space<vmem>> -> memref<128x128xf32, #tpu.memory_space<vmem>>
      %dma_start3A_209 = arith.constant 0 : i32
      %dma_start3A_210 = arith.constant 0 : i32
      %dma_start3A_211 = tpu.memref_slice %arg7[%run_scoped3A, %dma_start3A_209, %dma_start3A_210] : memref<2x128x128xf32, #tpu.memory_space<vmem>> -> memref<1x128x128xf32, #tpu.memory_space<vmem>>
      %dma_start3A_212 = tpu.memref_squeeze %dma_start3A_211 : memref<1x128x128xf32, #tpu.memory_space<vmem>> -> memref<128x128xf32, #tpu.memory_space<vmem>>
      tpu.enqueue_dma source(%arg4 : memref<128x128xf32, #tpu.memory_space<hbm>>) target(%dma_start3A_212 : memref<128x128xf32, #tpu.memory_space<vmem>>) target_semaphore(%run_scoped3A_204 : memref<!tpu.dma_semaphore, #tpu.memory_space<semaphore_mem>>)
      %dma_wait3A_213 = arith.constant 0 : i32
      %dma_wait3A_214 = arith.constant 0 : i32
      %dma_wait3A_215 = tpu.memref_slice %arg7[%run_scoped3A, %dma_wait3A_213, %dma_wait3A_214] : memref<2x128x128xf32, #tpu.memory_space<vmem>> -> memref<1x128x128xf32, #tpu.memory_space<vmem>>
      %dma_wait3A_216 = tpu.memref_squeeze %dma_wait3A_215 : memref<1x128x128xf32, #tpu.memory_space<vmem>> -> memref<128x128xf32, #tpu.memory_space<vmem>>
      %dma_wait3A_217 = arith.constant 0 : i32
      %dma_wait3A_218 = arith.constant 0 : i32
      %dma_wait3A_219 = tpu.memref_slice %arg7[%run_scoped3A, %dma_wait3A_217, %dma_wait3A_218] : memref<2x128x128xf32, #tpu.memory_space<vmem>> -> memref<1x128x128xf32, #tpu.memory_space<vmem>>
      %dma_wait3A_220 = tpu.memref_squeeze %dma_wait3A_219 : memref<1x128x128xf32, #tpu.memory_space<vmem>> -> memref<128x128xf32, #tpu.memory_space<vmem>>
      tpu.wait_dma2 semaphore(%run_scoped3A_204 : memref<!tpu.dma_semaphore, #tpu.memory_space<semaphore_mem>>) src(%arg4 : memref<128x128xf32, #tpu.memory_space<hbm>>) dst(%dma_wait3A_220 : memref<128x128xf32, #tpu.memory_space<vmem>>)
      tpu.yield
    }) : () -> ()
    %scan3A = arith.constant 0 : i32
    %scan3A_5 = arith.constant 0 : i32
    %scan3A_6 = arith.constant 5 : i32
    %scan3A_7 = arith.addi %scan3A_5, %scan3A_6 : i32
    %scan3A_8 = arith.constant 1 : i32
    scf.for %scan3A_204 = %scan3A_5 to %scan3A_7 step %scan3A_8  : i32 {
      %mul3A_205 = arith.constant 5 : i32
      %mul3A_206 = arith.muli %arg1, %mul3A_205 : i32
      %mul3A_207 = arith.constant 128 : i32
      %mul3A_208 = arith.muli %mul3A_206, %mul3A_207 : i32
      %mul3A_209 = arith.constant 128 : i32
      %mul3A_210 = arith.muli %scan3A_204, %mul3A_209 : i32
      %add3A_211 = arith.addi %mul3A_208, %mul3A_210 : i32
      %run_scoped3A_212 = arith.constant 0 : i32
      "tpu.region"() ({
        %run_scoped3A_213 = tpu.sem_alloc : memref<!tpu.dma_semaphore, #tpu.memory_space<semaphore_mem>>
        %dma_start3A_214 = arith.constant 0 : i32
        %dma_start3A_215 = arith.constant 0 : i32
        %dma_start3A_216 = tpu.memref_slice %arg7[%run_scoped3A_212, %dma_start3A_214, %dma_start3A_215] : memref<2x128x128xf32, #tpu.memory_space<vmem>> -> memref<1x128x128xf32, #tpu.memory_space<vmem>>
        %dma_start3A_217 = tpu.memref_squeeze %dma_start3A_216 : memref<1x128x128xf32, #tpu.memory_space<vmem>> -> memref<128x128xf32, #tpu.memory_space<vmem>>
        %dma_start3A_218 = arith.constant 0 : i32
        %dma_start3A_219 = tpu.memref_slice %arg8[%add3A_211, %dma_start3A_218] : memref<10240x128xf32, #tpu.memory_space<vmem_shared>> -> memref<128x128xf32, #tpu.memory_space<vmem_shared>>
        %dma_start3A_220 = arith.constant 0 : i32
        %dma_start3A_221 = tpu.memref_slice %arg8[%add3A_211, %dma_start3A_220] : memref<10240x128xf32, #tpu.memory_space<vmem_shared>> -> memref<128x128xf32, #tpu.memory_space<vmem_shared>>
        %dma_start3A_222 = arith.constant 0 : i32
        %dma_start3A_223 = arith.constant 0 : i32
        %dma_start3A_224 = tpu.memref_slice %arg7[%run_scoped3A_212, %dma_start3A_222, %dma_start3A_223] : memref<2x128x128xf32, #tpu.memory_space<vmem>> -> memref<1x128x128xf32, #tpu.memory_space<vmem>>
        %dma_start3A_225 = tpu.memref_squeeze %dma_start3A_224 : memref<1x128x128xf32, #tpu.memory_space<vmem>> -> memref<128x128xf32, #tpu.memory_space<vmem>>
        tpu.enqueue_dma source(%dma_start3A_225 : memref<128x128xf32, #tpu.memory_space<vmem>>) target(%dma_start3A_221 : memref<128x128xf32, #tpu.memory_space<vmem_shared>>) target_semaphore(%run_scoped3A_213 : memref<!tpu.dma_semaphore, #tpu.memory_space<semaphore_mem>>)
        %dma_wait3A_226 = arith.constant 0 : i32
        %dma_wait3A_227 = arith.constant 0 : i32
        %dma_wait3A_228 = tpu.memref_slice %arg7[%run_scoped3A_212, %dma_wait3A_226, %dma_wait3A_227] : memref<2x128x128xf32, #tpu.memory_space<vmem>> -> memref<1x128x128xf32, #tpu.memory_space<vmem>>
        %dma_wait3A_229 = tpu.memref_squeeze %dma_wait3A_228 : memref<1x128x128xf32, #tpu.memory_space<vmem>> -> memref<128x128xf32, #tpu.memory_space<vmem>>
        %dma_wait3A_230 = arith.constant 0 : i32
        %dma_wait3A_231 = tpu.memref_slice %arg8[%add3A_211, %dma_wait3A_230] : memref<10240x128xf32, #tpu.memory_space<vmem_shared>> -> memref<128x128xf32, #tpu.memory_space<vmem_shared>>
        %dma_wait3A_232 = arith.constant 0 : i32
        %dma_wait3A_233 = tpu.memref_slice %arg8[%add3A_211, %dma_wait3A_232] : memref<10240x128xf32, #tpu.memory_space<vmem_shared>> -> memref<128x128xf32, #tpu.memory_space<vmem_shared>>
        %dma_wait3A_234 = arith.constant 0 : i32
        %dma_wait3A_235 = arith.constant 0 : i32
        %dma_wait3A_236 = tpu.memref_slice %arg7[%run_scoped3A_212, %dma_wait3A_234, %dma_wait3A_235] : memref<2x128x128xf32, #tpu.memory_space<vmem>> -> memref<1x128x128xf32, #tpu.memory_space<vmem>>
        %dma_wait3A_237 = tpu.memref_squeeze %dma_wait3A_236 : memref<1x128x128xf32, #tpu.memory_space<vmem>> -> memref<128x128xf32, #tpu.memory_space<vmem>>
        tpu.wait_dma2 semaphore(%run_scoped3A_213 : memref<!tpu.dma_semaphore, #tpu.memory_space<semaphore_mem>>) src(%dma_wait3A_237 : memref<128x128xf32, #tpu.memory_space<vmem>>) dst(%dma_wait3A_233 : memref<128x128xf32, #tpu.memory_space<vmem_shared>>)
        tpu.yield
      }) : () -> ()
    }
    %scan3A_9 = arith.constant 5 : i32
    %barrier3A = arith.constant 0 : index
    tpu.barrier barrier_id(%barrier3A)
    %add3A_10 = arith.constant 0 : i32
    %add3A_11 = arith.addi %add3A, %add3A_10 : i32
    %dma_start3A = arith.constant 0 : i32
    %dma_start3A_12 = arith.constant 0 : i32
    %dma_start3A_13 = arith.constant 0 : i32
    %dma_start3A_14 = arith.constant 0 : i32
    %dma_start3A_15 = tpu.memref_slice %arg6[%dma_start3A, %dma_start3A_13, %dma_start3A_14] : memref<4x2x128xi32, #tpu.memory_space<vmem>> -> memref<1x2x128xi32, #tpu.memory_space<vmem>>
    %dma_start3A_16 = tpu.memref_squeeze %dma_start3A_15 : memref<1x2x128xi32, #tpu.memory_space<vmem>> -> memref<2x128xi32, #tpu.memory_space<vmem>>
    %dma_start3A_17 = arith.constant 0 : i32
    %dma_start3A_18 = arith.constant 0 : i32
    %dma_start3A_19 = tpu.memref_slice %arg3[%add3A_11, %dma_start3A_17, %dma_start3A_18] : memref<2560x2x128xi32, #tpu.memory_space<hbm>> -> memref<1x2x128xi32, #tpu.memory_space<hbm>>
    %dma_start3A_20 = tpu.memref_squeeze %dma_start3A_19 : memref<1x2x128xi32, #tpu.memory_space<hbm>> -> memref<2x128xi32, #tpu.memory_space<hbm>>
    %dma_start3A_21 = tpu.memref_slice %arg9[%dma_start3A_12] : memref<4x!tpu.dma_semaphore, #tpu.memory_space<semaphore_mem>> -> memref<1x!tpu.dma_semaphore, #tpu.memory_space<semaphore_mem>>
    %dma_start3A_22 = tpu.memref_squeeze %dma_start3A_21 : memref<1x!tpu.dma_semaphore, #tpu.memory_space<semaphore_mem>> -> memref<!tpu.dma_semaphore, #tpu.memory_space<semaphore_mem>>
    %dma_start3A_23 = arith.constant 0 : i32
    %dma_start3A_24 = arith.constant 0 : i32
    %dma_start3A_25 = tpu.memref_slice %arg6[%dma_start3A, %dma_start3A_23, %dma_start3A_24] : memref<4x2x128xi32, #tpu.memory_space<vmem>> -> memref<1x2x128xi32, #tpu.memory_space<vmem>>
    %dma_start3A_26 = tpu.memref_squeeze %dma_start3A_25 : memref<1x2x128xi32, #tpu.memory_space<vmem>> -> memref<2x128xi32, #tpu.memory_space<vmem>>
    %dma_start3A_27 = arith.constant 0 : i32
    %dma_start3A_28 = arith.constant 0 : i32
    %dma_start3A_29 = tpu.memref_slice %arg3[%add3A_11, %dma_start3A_27, %dma_start3A_28] : memref<2560x2x128xi32, #tpu.memory_space<hbm>> -> memref<1x2x128xi32, #tpu.memory_space<hbm>>
    %dma_start3A_30 = tpu.memref_squeeze %dma_start3A_29 : memref<1x2x128xi32, #tpu.memory_space<hbm>> -> memref<2x128xi32, #tpu.memory_space<hbm>>
    tpu.enqueue_dma source(%dma_start3A_30 : memref<2x128xi32, #tpu.memory_space<hbm>>) target(%dma_start3A_26 : memref<2x128xi32, #tpu.memory_space<vmem>>) target_semaphore(%dma_start3A_22 : memref<!tpu.dma_semaphore, #tpu.memory_space<semaphore_mem>>)
    %add3A_31 = arith.constant 1 : i32
    %add3A_32 = arith.addi %add3A, %add3A_31 : i32
    %dma_start3A_33 = arith.constant 1 : i32
    %dma_start3A_34 = arith.constant 1 : i32
    %dma_start3A_35 = arith.constant 0 : i32
    %dma_start3A_36 = arith.constant 0 : i32
    %dma_start3A_37 = tpu.memref_slice %arg6[%dma_start3A_33, %dma_start3A_35, %dma_start3A_36] : memref<4x2x128xi32, #tpu.memory_space<vmem>> -> memref<1x2x128xi32, #tpu.memory_space<vmem>>
    %dma_start3A_38 = tpu.memref_squeeze %dma_start3A_37 : memref<1x2x128xi32, #tpu.memory_space<vmem>> -> memref<2x128xi32, #tpu.memory_space<vmem>>
    %dma_start3A_39 = arith.constant 0 : i32
    %dma_start3A_40 = arith.constant 0 : i32
    %dma_start3A_41 = tpu.memref_slice %arg3[%add3A_32, %dma_start3A_39, %dma_start3A_40] : memref<2560x2x128xi32, #tpu.memory_space<hbm>> -> memref<1x2x128xi32, #tpu.memory_space<hbm>>
    %dma_start3A_42 = tpu.memref_squeeze %dma_start3A_41 : memref<1x2x128xi32, #tpu.memory_space<hbm>> -> memref<2x128xi32, #tpu.memory_space<hbm>>
    %dma_start3A_43 = tpu.memref_slice %arg9[%dma_start3A_34] : memref<4x!tpu.dma_semaphore, #tpu.memory_space<semaphore_mem>> -> memref<1x!tpu.dma_semaphore, #tpu.memory_space<semaphore_mem>>
    %dma_start3A_44 = tpu.memref_squeeze %dma_start3A_43 : memref<1x!tpu.dma_semaphore, #tpu.memory_space<semaphore_mem>> -> memref<!tpu.dma_semaphore, #tpu.memory_space<semaphore_mem>>
    %dma_start3A_45 = arith.constant 0 : i32
    %dma_start3A_46 = arith.constant 0 : i32
    %dma_start3A_47 = tpu.memref_slice %arg6[%dma_start3A_33, %dma_start3A_45, %dma_start3A_46] : memref<4x2x128xi32, #tpu.memory_space<vmem>> -> memref<1x2x128xi32, #tpu.memory_space<vmem>>
    %dma_start3A_48 = tpu.memref_squeeze %dma_start3A_47 : memref<1x2x128xi32, #tpu.memory_space<vmem>> -> memref<2x128xi32, #tpu.memory_space<vmem>>
    %dma_start3A_49 = arith.constant 0 : i32
    %dma_start3A_50 = arith.constant 0 : i32
    %dma_start3A_51 = tpu.memref_slice %arg3[%add3A_32, %dma_start3A_49, %dma_start3A_50] : memref<2560x2x128xi32, #tpu.memory_space<hbm>> -> memref<1x2x128xi32, #tpu.memory_space<hbm>>
    %dma_start3A_52 = tpu.memref_squeeze %dma_start3A_51 : memref<1x2x128xi32, #tpu.memory_space<hbm>> -> memref<2x128xi32, #tpu.memory_space<hbm>>
    tpu.enqueue_dma source(%dma_start3A_52 : memref<2x128xi32, #tpu.memory_space<hbm>>) target(%dma_start3A_48 : memref<2x128xi32, #tpu.memory_space<vmem>>) target_semaphore(%dma_start3A_44 : memref<!tpu.dma_semaphore, #tpu.memory_space<semaphore_mem>>)
    %add3A_53 = arith.constant 2 : i32
    %add3A_54 = arith.addi %add3A, %add3A_53 : i32
    %dma_start3A_55 = arith.constant 2 : i32
    %dma_start3A_56 = arith.constant 2 : i32
    %dma_start3A_57 = arith.constant 0 : i32
    %dma_start3A_58 = arith.constant 0 : i32
    %dma_start3A_59 = tpu.memref_slice %arg6[%dma_start3A_55, %dma_start3A_57, %dma_start3A_58] : memref<4x2x128xi32, #tpu.memory_space<vmem>> -> memref<1x2x128xi32, #tpu.memory_space<vmem>>
    %dma_start3A_60 = tpu.memref_squeeze %dma_start3A_59 : memref<1x2x128xi32, #tpu.memory_space<vmem>> -> memref<2x128xi32, #tpu.memory_space<vmem>>
    %dma_start3A_61 = arith.constant 0 : i32
    %dma_start3A_62 = arith.constant 0 : i32
    %dma_start3A_63 = tpu.memref_slice %arg3[%add3A_54, %dma_start3A_61, %dma_start3A_62] : memref<2560x2x128xi32, #tpu.memory_space<hbm>> -> memref<1x2x128xi32, #tpu.memory_space<hbm>>
    %dma_start3A_64 = tpu.memref_squeeze %dma_start3A_63 : memref<1x2x128xi32, #tpu.memory_space<hbm>> -> memref<2x128xi32, #tpu.memory_space<hbm>>
    %dma_start3A_65 = tpu.memref_slice %arg9[%dma_start3A_56] : memref<4x!tpu.dma_semaphore, #tpu.memory_space<semaphore_mem>> -> memref<1x!tpu.dma_semaphore, #tpu.memory_space<semaphore_mem>>
    %dma_start3A_66 = tpu.memref_squeeze %dma_start3A_65 : memref<1x!tpu.dma_semaphore, #tpu.memory_space<semaphore_mem>> -> memref<!tpu.dma_semaphore, #tpu.memory_space<semaphore_mem>>
    %dma_start3A_67 = arith.constant 0 : i32
    %dma_start3A_68 = arith.constant 0 : i32
    %dma_start3A_69 = tpu.memref_slice %arg6[%dma_start3A_55, %dma_start3A_67, %dma_start3A_68] : memref<4x2x128xi32, #tpu.memory_space<vmem>> -> memref<1x2x128xi32, #tpu.memory_space<vmem>>
    %dma_start3A_70 = tpu.memref_squeeze %dma_start3A_69 : memref<1x2x128xi32, #tpu.memory_space<vmem>> -> memref<2x128xi32, #tpu.memory_space<vmem>>
    %dma_start3A_71 = arith.constant 0 : i32
    %dma_start3A_72 = arith.constant 0 : i32
    %dma_start3A_73 = tpu.memref_slice %arg3[%add3A_54, %dma_start3A_71, %dma_start3A_72] : memref<2560x2x128xi32, #tpu.memory_space<hbm>> -> memref<1x2x128xi32, #tpu.memory_space<hbm>>
    %dma_start3A_74 = tpu.memref_squeeze %dma_start3A_73 : memref<1x2x128xi32, #tpu.memory_space<hbm>> -> memref<2x128xi32, #tpu.memory_space<hbm>>
    tpu.enqueue_dma source(%dma_start3A_74 : memref<2x128xi32, #tpu.memory_space<hbm>>) target(%dma_start3A_70 : memref<2x128xi32, #tpu.memory_space<vmem>>) target_semaphore(%dma_start3A_66 : memref<!tpu.dma_semaphore, #tpu.memory_space<semaphore_mem>>)
    %add3A_75 = arith.constant 3 : i32
    %add3A_76 = arith.addi %add3A, %add3A_75 : i32
    %dma_start3A_77 = arith.constant 3 : i32
    %dma_start3A_78 = arith.constant 3 : i32
    %dma_start3A_79 = arith.constant 0 : i32
    %dma_start3A_80 = arith.constant 0 : i32
    %dma_start3A_81 = tpu.memref_slice %arg6[%dma_start3A_77, %dma_start3A_79, %dma_start3A_80] : memref<4x2x128xi32, #tpu.memory_space<vmem>> -> memref<1x2x128xi32, #tpu.memory_space<vmem>>
    %dma_start3A_82 = tpu.memref_squeeze %dma_start3A_81 : memref<1x2x128xi32, #tpu.memory_space<vmem>> -> memref<2x128xi32, #tpu.memory_space<vmem>>
    %dma_start3A_83 = arith.constant 0 : i32
    %dma_start3A_84 = arith.constant 0 : i32
    %dma_start3A_85 = tpu.memref_slice %arg3[%add3A_76, %dma_start3A_83, %dma_start3A_84] : memref<2560x2x128xi32, #tpu.memory_space<hbm>> -> memref<1x2x128xi32, #tpu.memory_space<hbm>>
    %dma_start3A_86 = tpu.memref_squeeze %dma_start3A_85 : memref<1x2x128xi32, #tpu.memory_space<hbm>> -> memref<2x128xi32, #tpu.memory_space<hbm>>
    %dma_start3A_87 = tpu.memref_slice %arg9[%dma_start3A_78] : memref<4x!tpu.dma_semaphore, #tpu.memory_space<semaphore_mem>> -> memref<1x!tpu.dma_semaphore, #tpu.memory_space<semaphore_mem>>
    %dma_start3A_88 = tpu.memref_squeeze %dma_start3A_87 : memref<1x!tpu.dma_semaphore, #tpu.memory_space<semaphore_mem>> -> memref<!tpu.dma_semaphore, #tpu.memory_space<semaphore_mem>>
    %dma_start3A_89 = arith.constant 0 : i32
    %dma_start3A_90 = arith.constant 0 : i32
    %dma_start3A_91 = tpu.memref_slice %arg6[%dma_start3A_77, %dma_start3A_89, %dma_start3A_90] : memref<4x2x128xi32, #tpu.memory_space<vmem>> -> memref<1x2x128xi32, #tpu.memory_space<vmem>>
    %dma_start3A_92 = tpu.memref_squeeze %dma_start3A_91 : memref<1x2x128xi32, #tpu.memory_space<vmem>> -> memref<2x128xi32, #tpu.memory_space<vmem>>
    %dma_start3A_93 = arith.constant 0 : i32
    %dma_start3A_94 = arith.constant 0 : i32
    %dma_start3A_95 = tpu.memref_slice %arg3[%add3A_76, %dma_start3A_93, %dma_start3A_94] : memref<2560x2x128xi32, #tpu.memory_space<hbm>> -> memref<1x2x128xi32, #tpu.memory_space<hbm>>
    %dma_start3A_96 = tpu.memref_squeeze %dma_start3A_95 : memref<1x2x128xi32, #tpu.memory_space<hbm>> -> memref<2x128xi32, #tpu.memory_space<hbm>>
    tpu.enqueue_dma source(%dma_start3A_96 : memref<2x128xi32, #tpu.memory_space<hbm>>) target(%dma_start3A_92 : memref<2x128xi32, #tpu.memory_space<vmem>>) target_semaphore(%dma_start3A_88 : memref<!tpu.dma_semaphore, #tpu.memory_space<semaphore_mem>>)
    %add3A_97 = arith.constant 0 : i32
    %add3A_98 = arith.addi %add3A, %add3A_97 : i32
    %dma_wait3A = arith.constant 0 : i32
    %dma_wait3A_99 = arith.constant 0 : i32
    %dma_wait3A_100 = arith.constant 0 : i32
    %dma_wait3A_101 = arith.constant 0 : i32
    %dma_wait3A_102 = tpu.memref_slice %arg6[%dma_wait3A, %dma_wait3A_100, %dma_wait3A_101] : memref<4x2x128xi32, #tpu.memory_space<vmem>> -> memref<1x2x128xi32, #tpu.memory_space<vmem>>
    %dma_wait3A_103 = tpu.memref_squeeze %dma_wait3A_102 : memref<1x2x128xi32, #tpu.memory_space<vmem>> -> memref<2x128xi32, #tpu.memory_space<vmem>>
    %dma_wait3A_104 = arith.constant 0 : i32
    %dma_wait3A_105 = arith.constant 0 : i32
    %dma_wait3A_106 = tpu.memref_slice %arg3[%add3A_98, %dma_wait3A_104, %dma_wait3A_105] : memref<2560x2x128xi32, #tpu.memory_space<hbm>> -> memref<1x2x128xi32, #tpu.memory_space<hbm>>
    %dma_wait3A_107 = tpu.memref_squeeze %dma_wait3A_106 : memref<1x2x128xi32, #tpu.memory_space<hbm>> -> memref<2x128xi32, #tpu.memory_space<hbm>>
    %dma_wait3A_108 = tpu.memref_slice %arg9[%dma_wait3A_99] : memref<4x!tpu.dma_semaphore, #tpu.memory_space<semaphore_mem>> -> memref<1x!tpu.dma_semaphore, #tpu.memory_space<semaphore_mem>>
    %dma_wait3A_109 = tpu.memref_squeeze %dma_wait3A_108 : memref<1x!tpu.dma_semaphore, #tpu.memory_space<semaphore_mem>> -> memref<!tpu.dma_semaphore, #tpu.memory_space<semaphore_mem>>
    %dma_wait3A_110 = arith.constant 0 : i32
    %dma_wait3A_111 = arith.constant 0 : i32
    %dma_wait3A_112 = tpu.memref_slice %arg6[%dma_wait3A, %dma_wait3A_110, %dma_wait3A_111] : memref<4x2x128xi32, #tpu.memory_space<vmem>> -> memref<1x2x128xi32, #tpu.memory_space<vmem>>
    %dma_wait3A_113 = tpu.memref_squeeze %dma_wait3A_112 : memref<1x2x128xi32, #tpu.memory_space<vmem>> -> memref<2x128xi32, #tpu.memory_space<vmem>>
    %dma_wait3A_114 = arith.constant 0 : i32
    %dma_wait3A_115 = arith.constant 0 : i32
    %dma_wait3A_116 = tpu.memref_slice %arg3[%add3A_98, %dma_wait3A_114, %dma_wait3A_115] : memref<2560x2x128xi32, #tpu.memory_space<hbm>> -> memref<1x2x128xi32, #tpu.memory_space<hbm>>
    %dma_wait3A_117 = tpu.memref_squeeze %dma_wait3A_116 : memref<1x2x128xi32, #tpu.memory_space<hbm>> -> memref<2x128xi32, #tpu.memory_space<hbm>>
    tpu.wait_dma2 semaphore(%dma_wait3A_109 : memref<!tpu.dma_semaphore, #tpu.memory_space<semaphore_mem>>) src(%dma_wait3A_117 : memref<2x128xi32, #tpu.memory_space<hbm>>) dst(%dma_wait3A_113 : memref<2x128xi32, #tpu.memory_space<vmem>>)
    %dma_start3A_118 = arith.constant 0 : i32
    %dma_start3A_119 = arith.constant 0 : i32
    %dma_start3A_120 = arith.constant 0 : i32
    %dma_start3A_121 = arith.constant 0 : i32
    %dma_start3A_122 = arith.constant 0 : i32
    %dma_start3A_123 = arith.constant 0 : i32
    %dma_start3A_124 = tpu.memref_slice %arg7[%dma_start3A_120, %dma_start3A_122, %dma_start3A_123] : memref<2x128x128xf32, #tpu.memory_space<vmem>> -> memref<1x128x128xf32, #tpu.memory_space<vmem>>
    %dma_start3A_125 = tpu.memref_squeeze %dma_start3A_124 : memref<1x128x128xf32, #tpu.memory_space<vmem>> -> memref<128x128xf32, #tpu.memory_space<vmem>>
    %dma_start3A_126 = arith.constant 0 : i32
    %dma_start3A_127 = tpu.memref_slice %arg6[%dma_start3A_118, %dma_start3A_119, %dma_start3A_126] : memref<4x2x128xi32, #tpu.memory_space<vmem>> -> memref<1x1x128xi32, #tpu.memory_space<vmem>>
    %dma_start3A_128 = tpu.memref_squeeze %dma_start3A_127 : memref<1x1x128xi32, #tpu.memory_space<vmem>> -> memref<128xi32, #tpu.memory_space<vmem>>
    %dma_start3A_129 = arith.constant 0 : i32
    %dma_start3A_130 = arith.constant 0 : i32
    %dma_start3A_131 = tpu.memref_slice %arg2[%dma_start3A_129, %dma_start3A_130] : memref<10000x128xf32, #tpu.memory_space<hbm>> -> memref<10000x128xf32, #tpu.memory_space<hbm>>
    %dma_start3A_132 = tpu.memref_slice %arg10[%dma_start3A_121] : memref<2x!tpu.dma_semaphore, #tpu.memory_space<semaphore_mem>> -> memref<1x!tpu.dma_semaphore, #tpu.memory_space<semaphore_mem>>
    %dma_start3A_133 = tpu.memref_squeeze %dma_start3A_132 : memref<1x!tpu.dma_semaphore, #tpu.memory_space<semaphore_mem>> -> memref<!tpu.dma_semaphore, #tpu.memory_space<semaphore_mem>>
    tpu.enqueue_indirect_dma source(%dma_start3A_131 : memref<10000x128xf32, #tpu.memory_space<hbm>>) target(%dma_start3A_125 : memref<128x128xf32, #tpu.memory_space<vmem>>) offsets(%dma_start3A_128 : memref<128xi32, #tpu.memory_space<vmem>>) semaphore(%dma_start3A_133 : memref<!tpu.dma_semaphore, #tpu.memory_space<semaphore_mem>>)
    %add3A_134 = arith.constant 1 : i32
    %add3A_135 = arith.addi %add3A, %add3A_134 : i32
    %dma_wait3A_136 = arith.constant 1 : i32
    %dma_wait3A_137 = arith.constant 1 : i32
    %dma_wait3A_138 = arith.constant 0 : i32
    %dma_wait3A_139 = arith.constant 0 : i32
    %dma_wait3A_140 = tpu.memref_slice %arg6[%dma_wait3A_136, %dma_wait3A_138, %dma_wait3A_139] : memref<4x2x128xi32, #tpu.memory_space<vmem>> -> memref<1x2x128xi32, #tpu.memory_space<vmem>>
    %dma_wait3A_141 = tpu.memref_squeeze %dma_wait3A_140 : memref<1x2x128xi32, #tpu.memory_space<vmem>> -> memref<2x128xi32, #tpu.memory_space<vmem>>
    %dma_wait3A_142 = arith.constant 0 : i32
    %dma_wait3A_143 = arith.constant 0 : i32
    %dma_wait3A_144 = tpu.memref_slice %arg3[%add3A_135, %dma_wait3A_142, %dma_wait3A_143] : memref<2560x2x128xi32, #tpu.memory_space<hbm>> -> memref<1x2x128xi32, #tpu.memory_space<hbm>>
    %dma_wait3A_145 = tpu.memref_squeeze %dma_wait3A_144 : memref<1x2x128xi32, #tpu.memory_space<hbm>> -> memref<2x128xi32, #tpu.memory_space<hbm>>
    %dma_wait3A_146 = tpu.memref_slice %arg9[%dma_wait3A_137] : memref<4x!tpu.dma_semaphore, #tpu.memory_space<semaphore_mem>> -> memref<1x!tpu.dma_semaphore, #tpu.memory_space<semaphore_mem>>
    %dma_wait3A_147 = tpu.memref_squeeze %dma_wait3A_146 : memref<1x!tpu.dma_semaphore, #tpu.memory_space<semaphore_mem>> -> memref<!tpu.dma_semaphore, #tpu.memory_space<semaphore_mem>>
    %dma_wait3A_148 = arith.constant 0 : i32
    %dma_wait3A_149 = arith.constant 0 : i32
    %dma_wait3A_150 = tpu.memref_slice %arg6[%dma_wait3A_136, %dma_wait3A_148, %dma_wait3A_149] : memref<4x2x128xi32, #tpu.memory_space<vmem>> -> memref<1x2x128xi32, #tpu.memory_space<vmem>>
    %dma_wait3A_151 = tpu.memref_squeeze %dma_wait3A_150 : memref<1x2x128xi32, #tpu.memory_space<vmem>> -> memref<2x128xi32, #tpu.memory_space<vmem>>
    %dma_wait3A_152 = arith.constant 0 : i32
    %dma_wait3A_153 = arith.constant 0 : i32
    %dma_wait3A_154 = tpu.memref_slice %arg3[%add3A_135, %dma_wait3A_152, %dma_wait3A_153] : memref<2560x2x128xi32, #tpu.memory_space<hbm>> -> memref<1x2x128xi32, #tpu.memory_space<hbm>>
    %dma_wait3A_155 = tpu.memref_squeeze %dma_wait3A_154 : memref<1x2x128xi32, #tpu.memory_space<hbm>> -> memref<2x128xi32, #tpu.memory_space<hbm>>
    tpu.wait_dma2 semaphore(%dma_wait3A_147 : memref<!tpu.dma_semaphore, #tpu.memory_space<semaphore_mem>>) src(%dma_wait3A_155 : memref<2x128xi32, #tpu.memory_space<hbm>>) dst(%dma_wait3A_151 : memref<2x128xi32, #tpu.memory_space<vmem>>)
    %dma_start3A_156 = arith.constant 1 : i32
    %dma_start3A_157 = arith.constant 0 : i32
    %dma_start3A_158 = arith.constant 1 : i32
    %dma_start3A_159 = arith.constant 1 : i32
    %dma_start3A_160 = arith.constant 0 : i32
    %dma_start3A_161 = arith.constant 0 : i32
    %dma_start3A_162 = tpu.memref_slice %arg7[%dma_start3A_158, %dma_start3A_160, %dma_start3A_161] : memref<2x128x128xf32, #tpu.memory_space<vmem>> -> memref<1x128x128xf32, #tpu.memory_space<vmem>>
    %dma_start3A_163 = tpu.memref_squeeze %dma_start3A_162 : memref<1x128x128xf32, #tpu.memory_space<vmem>> -> memref<128x128xf32, #tpu.memory_space<vmem>>
    %dma_start3A_164 = arith.constant 0 : i32
    %dma_start3A_165 = tpu.memref_slice %arg6[%dma_start3A_156, %dma_start3A_157, %dma_start3A_164] : memref<4x2x128xi32, #tpu.memory_space<vmem>> -> memref<1x1x128xi32, #tpu.memory_space<vmem>>
    %dma_start3A_166 = tpu.memref_squeeze %dma_start3A_165 : memref<1x1x128xi32, #tpu.memory_space<vmem>> -> memref<128xi32, #tpu.memory_space<vmem>>
    %dma_start3A_167 = arith.constant 0 : i32
    %dma_start3A_168 = arith.constant 0 : i32
    %dma_start3A_169 = tpu.memref_slice %arg2[%dma_start3A_167, %dma_start3A_168] : memref<10000x128xf32, #tpu.memory_space<hbm>> -> memref<10000x128xf32, #tpu.memory_space<hbm>>
    %dma_start3A_170 = tpu.memref_slice %arg10[%dma_start3A_159] : memref<2x!tpu.dma_semaphore, #tpu.memory_space<semaphore_mem>> -> memref<1x!tpu.dma_semaphore, #tpu.memory_space<semaphore_mem>>
    %dma_start3A_171 = tpu.memref_squeeze %dma_start3A_170 : memref<1x!tpu.dma_semaphore, #tpu.memory_space<semaphore_mem>> -> memref<!tpu.dma_semaphore, #tpu.memory_space<semaphore_mem>>
    tpu.enqueue_indirect_dma source(%dma_start3A_169 : memref<10000x128xf32, #tpu.memory_space<hbm>>) target(%dma_start3A_163 : memref<128x128xf32, #tpu.memory_space<vmem>>) offsets(%dma_start3A_166 : memref<128xi32, #tpu.memory_space<vmem>>) semaphore(%dma_start3A_171 : memref<!tpu.dma_semaphore, #tpu.memory_space<semaphore_mem>>)
    %jit3A_172 = arith.constant 4 : i32
    %div3A = arith.divsi %select_n3A, %jit3A_172 : i32
    %sign3A = arith.constant 0 : i32
    %sign3A_173 = arith.cmpi sgt, %select_n3A, %sign3A : i32
    %sign3A_174 = arith.extui %sign3A_173 : i1 to i32
    %sign3A_175 = arith.constant 0 : i32
    %sign3A_176 = arith.cmpi slt, %select_n3A, %sign3A_175 : i32
    %sign3A_177 = arith.extui %sign3A_176 : i1 to i32
    %sign3A_178 = arith.subi %sign3A_174, %sign3A_177 : i32
    %sign3A_179 = arith.constant 0 : i32
    %sign3A_180 = arith.cmpi sgt, %jit3A_172, %sign3A_179 : i32
    %sign3A_181 = arith.extui %sign3A_180 : i1 to i32
    %sign3A_182 = arith.constant 0 : i32
    %sign3A_183 = arith.cmpi slt, %jit3A_172, %sign3A_182 : i32
    %sign3A_184 = arith.extui %sign3A_183 : i1 to i32
    %sign3A_185 = arith.subi %sign3A_181, %sign3A_184 : i32
    %ne3A = arith.cmpi ne, %sign3A_178, %sign3A_185 : i32
    %rem3A = arith.remsi %select_n3A, %jit3A_172 : i32
    %ne3A_186 = arith.constant 0 : i32
    %ne3A_187 = arith.cmpi ne, %rem3A, %ne3A_186 : i32
    %and3A = arith.andi %ne3A, %ne3A_187 : i1
    %sub3A = arith.constant 1 : i32
    %sub3A_188 = arith.subi %div3A, %sub3A : i32
    %select_n3A_189 = arith.select %and3A, %sub3A_188, %div3A : i32
    %while3A = arith.constant 0 : i32
    %while3A_190 = arith.constant 0 : i32
    %while3A_191 = arith.subi %select_n3A_189, %while3A_190 : i32
    %while3A_192 = arith.addi %while3A_190, %while3A_191 : i32
    %while3A_193 = arith.constant 1 : i32
    %while3A_194 = arith.divsi %while3A_191, %while3A_193 : i32
    %while3A_195 = arith.muli %while3A_194, %while3A_193 : i32
    %while3A_196 = arith.addi %while3A_190, %while3A_195 : i32
    %while3A_197 = arith.constant 1 : i32
    scf.for %while3A_204 = %while3A_190 to %while3A_196 step %while3A_197  : i32 {
      %mul3A_205 = arith.constant 4 : i32
      %mul3A_206 = arith.muli %while3A_204, %mul3A_205 : i32
      %add3A_207 = arith.constant 0 : i32
      %add3A_208 = arith.addi %mul3A_206, %add3A_207 : i32
      %dma_wait3A_209 = arith.constant 0 : i32
      %dma_wait3A_210 = arith.constant 0 : i32
      %dma_wait3A_211 = arith.constant 0 : i32
      %dma_wait3A_212 = arith.constant 0 : i32
      %dma_wait3A_213 = arith.constant 0 : i32
      %dma_wait3A_214 = arith.constant 0 : i32
      %dma_wait3A_215 = tpu.memref_slice %arg7[%dma_wait3A_211, %dma_wait3A_213, %dma_wait3A_214] : memref<2x128x128xf32, #tpu.memory_space<vmem>> -> memref<1x128x128xf32, #tpu.memory_space<vmem>>
      %dma_wait3A_216 = tpu.memref_squeeze %dma_wait3A_215 : memref<1x128x128xf32, #tpu.memory_space<vmem>> -> memref<128x128xf32, #tpu.memory_space<vmem>>
      %dma_wait3A_217 = arith.constant 0 : i32
      %dma_wait3A_218 = tpu.memref_slice %arg6[%dma_wait3A_209, %dma_wait3A_210, %dma_wait3A_217] : memref<4x2x128xi32, #tpu.memory_space<vmem>> -> memref<1x1x128xi32, #tpu.memory_space<vmem>>
      %dma_wait3A_219 = tpu.memref_squeeze %dma_wait3A_218 : memref<1x1x128xi32, #tpu.memory_space<vmem>> -> memref<128xi32, #tpu.memory_space<vmem>>
      %dma_wait3A_220 = arith.constant 0 : i32
      %dma_wait3A_221 = arith.constant 0 : i32
      %dma_wait3A_222 = tpu.memref_slice %arg2[%dma_wait3A_220, %dma_wait3A_221] : memref<10000x128xf32, #tpu.memory_space<hbm>> -> memref<10000x128xf32, #tpu.memory_space<hbm>>
      %dma_wait3A_223 = tpu.memref_slice %arg10[%dma_wait3A_212] : memref<2x!tpu.dma_semaphore, #tpu.memory_space<semaphore_mem>> -> memref<1x!tpu.dma_semaphore, #tpu.memory_space<semaphore_mem>>
      %dma_wait3A_224 = tpu.memref_squeeze %dma_wait3A_223 : memref<1x!tpu.dma_semaphore, #tpu.memory_space<semaphore_mem>> -> memref<!tpu.dma_semaphore, #tpu.memory_space<semaphore_mem>>
      tpu.wait_indirect_dma semaphore(%dma_wait3A_224 : memref<!tpu.dma_semaphore, #tpu.memory_space<semaphore_mem>>) src(%dma_wait3A_222 : memref<10000x128xf32, #tpu.memory_space<hbm>>) dst(%dma_wait3A_216 : memref<128x128xf32, #tpu.memory_space<vmem>>)
      %run_scoped3A_225 = arith.constant 0 : i32
      %run_scoped3A_226 = arith.constant 0 : i32
      %run_scoped3A_227 = arith.constant 1 : i32
      "tpu.region"() ({
        %run_scoped3A_336 = tpu.sem_alloc : memref<!tpu.dma_semaphore, #tpu.memory_space<semaphore_mem>>
        %dma_start3A_337 = arith.constant 0 : i32
        %dma_start3A_338 = arith.constant 0 : i32
        %dma_start3A_339 = tpu.memref_slice %arg7[%run_scoped3A_225, %dma_start3A_337, %dma_start3A_338] : memref<2x128x128xf32, #tpu.memory_space<vmem>> -> memref<1x128x128xf32, #tpu.memory_space<vmem>>
        %dma_start3A_340 = tpu.memref_squeeze %dma_start3A_339 : memref<1x128x128xf32, #tpu.memory_space<vmem>> -> memref<128x128xf32, #tpu.memory_space<vmem>>
        %dma_start3A_341 = arith.constant 0 : i32
        %dma_start3A_342 = tpu.memref_slice %arg6[%run_scoped3A_226, %run_scoped3A_227, %dma_start3A_341] : memref<4x2x128xi32, #tpu.memory_space<vmem>> -> memref<1x1x128xi32, #tpu.memory_space<vmem>>
        %dma_start3A_343 = tpu.memref_squeeze %dma_start3A_342 : memref<1x1x128xi32, #tpu.memory_space<vmem>> -> memref<128xi32, #tpu.memory_space<vmem>>
        %dma_start3A_344 = arith.constant 0 : i32
        %dma_start3A_345 = arith.constant 0 : i32
        %dma_start3A_346 = tpu.memref_slice %arg8[%dma_start3A_344, %dma_start3A_345] : memref<10240x128xf32, #tpu.memory_space<vmem_shared>> -> memref<10240x128xf32, #tpu.memory_space<vmem_shared>>
        tpu.enqueue_indirect_dma source(%dma_start3A_340 : memref<128x128xf32, #tpu.memory_space<vmem>>) target(%dma_start3A_346 : memref<10240x128xf32, #tpu.memory_space<vmem_shared>>) offsets(%dma_start3A_343 : memref<128xi32, #tpu.memory_space<vmem>>) semaphore(%run_scoped3A_336 : memref<!tpu.dma_semaphore, #tpu.memory_space<semaphore_mem>>) {add = true}
        %dma_wait3A_347 = arith.constant 0 : i32
        %dma_wait3A_348 = arith.constant 0 : i32
        %dma_wait3A_349 = tpu.memref_slice %arg7[%run_scoped3A_225, %dma_wait3A_347, %dma_wait3A_348] : memref<2x128x128xf32, #tpu.memory_space<vmem>> -> memref<1x128x128xf32, #tpu.memory_space<vmem>>
        %dma_wait3A_350 = tpu.memref_squeeze %dma_wait3A_349 : memref<1x128x128xf32, #tpu.memory_space<vmem>> -> memref<128x128xf32, #tpu.memory_space<vmem>>
        %dma_wait3A_351 = arith.constant 0 : i32
        %dma_wait3A_352 = tpu.memref_slice %arg6[%run_scoped3A_226, %run_scoped3A_227, %dma_wait3A_351] : memref<4x2x128xi32, #tpu.memory_space<vmem>> -> memref<1x1x128xi32, #tpu.memory_space<vmem>>
        %dma_wait3A_353 = tpu.memref_squeeze %dma_wait3A_352 : memref<1x1x128xi32, #tpu.memory_space<vmem>> -> memref<128xi32, #tpu.memory_space<vmem>>
        %dma_wait3A_354 = arith.constant 0 : i32
        %dma_wait3A_355 = arith.constant 0 : i32
        %dma_wait3A_356 = tpu.memref_slice %arg8[%dma_wait3A_354, %dma_wait3A_355] : memref<10240x128xf32, #tpu.memory_space<vmem_shared>> -> memref<10240x128xf32, #tpu.memory_space<vmem_shared>>
        tpu.wait_indirect_dma semaphore(%run_scoped3A_336 : memref<!tpu.dma_semaphore, #tpu.memory_space<semaphore_mem>>) src(%dma_wait3A_350 : memref<128x128xf32, #tpu.memory_space<vmem>>) dst(%dma_wait3A_356 : memref<10240x128xf32, #tpu.memory_space<vmem_shared>>)
        tpu.yield
      }) : () -> ()
      %add3A_228 = arith.constant 4 : i32
      %add3A_229 = arith.addi %add3A_208, %add3A_228 : i32
      %lt3A = arith.cmpi slt, %add3A_229, %select_n3A : i32
      %convert_element_type3A = arith.extui %lt3A : i1 to i32
      %cond3A = arith.constant 0 : i32
      %cond3A_230 = arith.cmpi ne, %convert_element_type3A, %cond3A : i32
      scf.if %cond3A_230 {
        %add3A_336 = arith.addi %add3A, %add3A_229 : i32
        %dma_start3A_337 = arith.constant 0 : i32
        %dma_start3A_338 = arith.constant 0 : i32
        %dma_start3A_339 = arith.constant 0 : i32
        %dma_start3A_340 = arith.constant 0 : i32
        %dma_start3A_341 = tpu.memref_slice %arg6[%dma_start3A_337, %dma_start3A_339, %dma_start3A_340] : memref<4x2x128xi32, #tpu.memory_space<vmem>> -> memref<1x2x128xi32, #tpu.memory_space<vmem>>
        %dma_start3A_342 = tpu.memref_squeeze %dma_start3A_341 : memref<1x2x128xi32, #tpu.memory_space<vmem>> -> memref<2x128xi32, #tpu.memory_space<vmem>>
        %dma_start3A_343 = arith.constant 0 : i32
        %dma_start3A_344 = arith.constant 0 : i32
        %dma_start3A_345 = tpu.memref_slice %arg3[%add3A_336, %dma_start3A_343, %dma_start3A_344] : memref<2560x2x128xi32, #tpu.memory_space<hbm>> -> memref<1x2x128xi32, #tpu.memory_space<hbm>>
        %dma_start3A_346 = tpu.memref_squeeze %dma_start3A_345 : memref<1x2x128xi32, #tpu.memory_space<hbm>> -> memref<2x128xi32, #tpu.memory_space<hbm>>
        %dma_start3A_347 = tpu.memref_slice %arg9[%dma_start3A_338] : memref<4x!tpu.dma_semaphore, #tpu.memory_space<semaphore_mem>> -> memref<1x!tpu.dma_semaphore, #tpu.memory_space<semaphore_mem>>
        %dma_start3A_348 = tpu.memref_squeeze %dma_start3A_347 : memref<1x!tpu.dma_semaphore, #tpu.memory_space<semaphore_mem>> -> memref<!tpu.dma_semaphore, #tpu.memory_space<semaphore_mem>>
        %dma_start3A_349 = arith.constant 0 : i32
        %dma_start3A_350 = arith.constant 0 : i32
        %dma_start3A_351 = tpu.memref_slice %arg6[%dma_start3A_337, %dma_start3A_349, %dma_start3A_350] : memref<4x2x128xi32, #tpu.memory_space<vmem>> -> memref<1x2x128xi32, #tpu.memory_space<vmem>>
        %dma_start3A_352 = tpu.memref_squeeze %dma_start3A_351 : memref<1x2x128xi32, #tpu.memory_space<vmem>> -> memref<2x128xi32, #tpu.memory_space<vmem>>
        %dma_start3A_353 = arith.constant 0 : i32
        %dma_start3A_354 = arith.constant 0 : i32
        %dma_start3A_355 = tpu.memref_slice %arg3[%add3A_336, %dma_start3A_353, %dma_start3A_354] : memref<2560x2x128xi32, #tpu.memory_space<hbm>> -> memref<1x2x128xi32, #tpu.memory_space<hbm>>
        %dma_start3A_356 = tpu.memref_squeeze %dma_start3A_355 : memref<1x2x128xi32, #tpu.memory_space<hbm>> -> memref<2x128xi32, #tpu.memory_space<hbm>>
        tpu.enqueue_dma source(%dma_start3A_356 : memref<2x128xi32, #tpu.memory_space<hbm>>) target(%dma_start3A_352 : memref<2x128xi32, #tpu.memory_space<vmem>>) target_semaphore(%dma_start3A_348 : memref<!tpu.dma_semaphore, #tpu.memory_space<semaphore_mem>>)
      } else {
      }
      %add3A_231 = arith.constant 2 : i32
      %add3A_232 = arith.addi %add3A_208, %add3A_231 : i32
      %lt3A_233 = arith.cmpi slt, %add3A_232, %select_n3A : i32
      %convert_element_type3A_234 = arith.extui %lt3A_233 : i1 to i32
      %cond3A_235 = arith.constant 0 : i32
      %cond3A_236 = arith.cmpi ne, %convert_element_type3A_234, %cond3A_235 : i32
      scf.if %cond3A_236 {
        %add3A_336 = arith.addi %add3A, %add3A_232 : i32
        %dma_wait3A_337 = arith.constant 2 : i32
        %dma_wait3A_338 = arith.constant 2 : i32
        %dma_wait3A_339 = arith.constant 0 : i32
        %dma_wait3A_340 = arith.constant 0 : i32
        %dma_wait3A_341 = tpu.memref_slice %arg6[%dma_wait3A_337, %dma_wait3A_339, %dma_wait3A_340] : memref<4x2x128xi32, #tpu.memory_space<vmem>> -> memref<1x2x128xi32, #tpu.memory_space<vmem>>
        %dma_wait3A_342 = tpu.memref_squeeze %dma_wait3A_341 : memref<1x2x128xi32, #tpu.memory_space<vmem>> -> memref<2x128xi32, #tpu.memory_space<vmem>>
        %dma_wait3A_343 = arith.constant 0 : i32
        %dma_wait3A_344 = arith.constant 0 : i32
        %dma_wait3A_345 = tpu.memref_slice %arg3[%add3A_336, %dma_wait3A_343, %dma_wait3A_344] : memref<2560x2x128xi32, #tpu.memory_space<hbm>> -> memref<1x2x128xi32, #tpu.memory_space<hbm>>
        %dma_wait3A_346 = tpu.memref_squeeze %dma_wait3A_345 : memref<1x2x128xi32, #tpu.memory_space<hbm>> -> memref<2x128xi32, #tpu.memory_space<hbm>>
        %dma_wait3A_347 = tpu.memref_slice %arg9[%dma_wait3A_338] : memref<4x!tpu.dma_semaphore, #tpu.memory_space<semaphore_mem>> -> memref<1x!tpu.dma_semaphore, #tpu.memory_space<semaphore_mem>>
        %dma_wait3A_348 = tpu.memref_squeeze %dma_wait3A_347 : memref<1x!tpu.dma_semaphore, #tpu.memory_space<semaphore_mem>> -> memref<!tpu.dma_semaphore, #tpu.memory_space<semaphore_mem>>
        %dma_wait3A_349 = arith.constant 0 : i32
        %dma_wait3A_350 = arith.constant 0 : i32
        %dma_wait3A_351 = tpu.memref_slice %arg6[%dma_wait3A_337, %dma_wait3A_349, %dma_wait3A_350] : memref<4x2x128xi32, #tpu.memory_space<vmem>> -> memref<1x2x128xi32, #tpu.memory_space<vmem>>
        %dma_wait3A_352 = tpu.memref_squeeze %dma_wait3A_351 : memref<1x2x128xi32, #tpu.memory_space<vmem>> -> memref<2x128xi32, #tpu.memory_space<vmem>>
        %dma_wait3A_353 = arith.constant 0 : i32
        %dma_wait3A_354 = arith.constant 0 : i32
        %dma_wait3A_355 = tpu.memref_slice %arg3[%add3A_336, %dma_wait3A_353, %dma_wait3A_354] : memref<2560x2x128xi32, #tpu.memory_space<hbm>> -> memref<1x2x128xi32, #tpu.memory_space<hbm>>
        %dma_wait3A_356 = tpu.memref_squeeze %dma_wait3A_355 : memref<1x2x128xi32, #tpu.memory_space<hbm>> -> memref<2x128xi32, #tpu.memory_space<hbm>>
        tpu.wait_dma2 semaphore(%dma_wait3A_348 : memref<!tpu.dma_semaphore, #tpu.memory_space<semaphore_mem>>) src(%dma_wait3A_356 : memref<2x128xi32, #tpu.memory_space<hbm>>) dst(%dma_wait3A_352 : memref<2x128xi32, #tpu.memory_space<vmem>>)
        %dma_start3A_357 = arith.constant 2 : i32
        %dma_start3A_358 = arith.constant 0 : i32
        %dma_start3A_359 = arith.constant 0 : i32
        %dma_start3A_360 = arith.constant 0 : i32
        %dma_start3A_361 = arith.constant 0 : i32
        %dma_start3A_362 = arith.constant 0 : i32
        %dma_start3A_363 = tpu.memref_slice %arg7[%dma_start3A_359, %dma_start3A_361, %dma_start3A_362] : memref<2x128x128xf32, #tpu.memory_space<vmem>> -> memref<1x128x128xf32, #tpu.memory_space<vmem>>
        %dma_start3A_364 = tpu.memref_squeeze %dma_start3A_363 : memref<1x128x128xf32, #tpu.memory_space<vmem>> -> memref<128x128xf32, #tpu.memory_space<vmem>>
        %dma_start3A_365 = arith.constant 0 : i32
        %dma_start3A_366 = tpu.memref_slice %arg6[%dma_start3A_357, %dma_start3A_358, %dma_start3A_365] : memref<4x2x128xi32, #tpu.memory_space<vmem>> -> memref<1x1x128xi32, #tpu.memory_space<vmem>>
        %dma_start3A_367 = tpu.memref_squeeze %dma_start3A_366 : memref<1x1x128xi32, #tpu.memory_space<vmem>> -> memref<128xi32, #tpu.memory_space<vmem>>
        %dma_start3A_368 = arith.constant 0 : i32
        %dma_start3A_369 = arith.constant 0 : i32
        %dma_start3A_370 = tpu.memref_slice %arg2[%dma_start3A_368, %dma_start3A_369] : memref<10000x128xf32, #tpu.memory_space<hbm>> -> memref<10000x128xf32, #tpu.memory_space<hbm>>
        %dma_start3A_371 = tpu.memref_slice %arg10[%dma_start3A_360] : memref<2x!tpu.dma_semaphore, #tpu.memory_space<semaphore_mem>> -> memref<1x!tpu.dma_semaphore, #tpu.memory_space<semaphore_mem>>
        %dma_start3A_372 = tpu.memref_squeeze %dma_start3A_371 : memref<1x!tpu.dma_semaphore, #tpu.memory_space<semaphore_mem>> -> memref<!tpu.dma_semaphore, #tpu.memory_space<semaphore_mem>>
        tpu.enqueue_indirect_dma source(%dma_start3A_370 : memref<10000x128xf32, #tpu.memory_space<hbm>>) target(%dma_start3A_364 : memref<128x128xf32, #tpu.memory_space<vmem>>) offsets(%dma_start3A_367 : memref<128xi32, #tpu.memory_space<vmem>>) semaphore(%dma_start3A_372 : memref<!tpu.dma_semaphore, #tpu.memory_space<semaphore_mem>>)
      } else {
      }
      %add3A_237 = arith.constant 1 : i32
      %add3A_238 = arith.addi %mul3A_206, %add3A_237 : i32
      %dma_wait3A_239 = arith.constant 1 : i32
      %dma_wait3A_240 = arith.constant 0 : i32
      %dma_wait3A_241 = arith.constant 1 : i32
      %dma_wait3A_242 = arith.constant 1 : i32
      %dma_wait3A_243 = arith.constant 0 : i32
      %dma_wait3A_244 = arith.constant 0 : i32
      %dma_wait3A_245 = tpu.memref_slice %arg7[%dma_wait3A_241, %dma_wait3A_243, %dma_wait3A_244] : memref<2x128x128xf32, #tpu.memory_space<vmem>> -> memref<1x128x128xf32, #tpu.memory_space<vmem>>
      %dma_wait3A_246 = tpu.memref_squeeze %dma_wait3A_245 : memref<1x128x128xf32, #tpu.memory_space<vmem>> -> memref<128x128xf32, #tpu.memory_space<vmem>>
      %dma_wait3A_247 = arith.constant 0 : i32
      %dma_wait3A_248 = tpu.memref_slice %arg6[%dma_wait3A_239, %dma_wait3A_240, %dma_wait3A_247] : memref<4x2x128xi32, #tpu.memory_space<vmem>> -> memref<1x1x128xi32, #tpu.memory_space<vmem>>
      %dma_wait3A_249 = tpu.memref_squeeze %dma_wait3A_248 : memref<1x1x128xi32, #tpu.memory_space<vmem>> -> memref<128xi32, #tpu.memory_space<vmem>>
      %dma_wait3A_250 = arith.constant 0 : i32
      %dma_wait3A_251 = arith.constant 0 : i32
      %dma_wait3A_252 = tpu.memref_slice %arg2[%dma_wait3A_250, %dma_wait3A_251] : memref<10000x128xf32, #tpu.memory_space<hbm>> -> memref<10000x128xf32, #tpu.memory_space<hbm>>
      %dma_wait3A_253 = tpu.memref_slice %arg10[%dma_wait3A_242] : memref<2x!tpu.dma_semaphore, #tpu.memory_space<semaphore_mem>> -> memref<1x!tpu.dma_semaphore, #tpu.memory_space<semaphore_mem>>
      %dma_wait3A_254 = tpu.memref_squeeze %dma_wait3A_253 : memref<1x!tpu.dma_semaphore, #tpu.memory_space<semaphore_mem>> -> memref<!tpu.dma_semaphore, #tpu.memory_space<semaphore_mem>>
      tpu.wait_indirect_dma semaphore(%dma_wait3A_254 : memref<!tpu.dma_semaphore, #tpu.memory_space<semaphore_mem>>) src(%dma_wait3A_252 : memref<10000x128xf32, #tpu.memory_space<hbm>>) dst(%dma_wait3A_246 : memref<128x128xf32, #tpu.memory_space<vmem>>)
      %run_scoped3A_255 = arith.constant 1 : i32
      %run_scoped3A_256 = arith.constant 1 : i32
      %run_scoped3A_257 = arith.constant 1 : i32
      "tpu.region"() ({
        %run_scoped3A_336 = tpu.sem_alloc : memref<!tpu.dma_semaphore, #tpu.memory_space<semaphore_mem>>
        %dma_start3A_337 = arith.constant 0 : i32
        %dma_start3A_338 = arith.constant 0 : i32
        %dma_start3A_339 = tpu.memref_slice %arg7[%run_scoped3A_255, %dma_start3A_337, %dma_start3A_338] : memref<2x128x128xf32, #tpu.memory_space<vmem>> -> memref<1x128x128xf32, #tpu.memory_space<vmem>>
        %dma_start3A_340 = tpu.memref_squeeze %dma_start3A_339 : memref<1x128x128xf32, #tpu.memory_space<vmem>> -> memref<128x128xf32, #tpu.memory_space<vmem>>
        %dma_start3A_341 = arith.constant 0 : i32
        %dma_start3A_342 = tpu.memref_slice %arg6[%run_scoped3A_256, %run_scoped3A_257, %dma_start3A_341] : memref<4x2x128xi32, #tpu.memory_space<vmem>> -> memref<1x1x128xi32, #tpu.memory_space<vmem>>
        %dma_start3A_343 = tpu.memref_squeeze %dma_start3A_342 : memref<1x1x128xi32, #tpu.memory_space<vmem>> -> memref<128xi32, #tpu.memory_space<vmem>>
        %dma_start3A_344 = arith.constant 0 : i32
        %dma_start3A_345 = arith.constant 0 : i32
        %dma_start3A_346 = tpu.memref_slice %arg8[%dma_start3A_344, %dma_start3A_345] : memref<10240x128xf32, #tpu.memory_space<vmem_shared>> -> memref<10240x128xf32, #tpu.memory_space<vmem_shared>>
        tpu.enqueue_indirect_dma source(%dma_start3A_340 : memref<128x128xf32, #tpu.memory_space<vmem>>) target(%dma_start3A_346 : memref<10240x128xf32, #tpu.memory_space<vmem_shared>>) offsets(%dma_start3A_343 : memref<128xi32, #tpu.memory_space<vmem>>) semaphore(%run_scoped3A_336 : memref<!tpu.dma_semaphore, #tpu.memory_space<semaphore_mem>>) {add = true}
        %dma_wait3A_347 = arith.constant 0 : i32
        %dma_wait3A_348 = arith.constant 0 : i32
        %dma_wait3A_349 = tpu.memref_slice %arg7[%run_scoped3A_255, %dma_wait3A_347, %dma_wait3A_348] : memref<2x128x128xf32, #tpu.memory_space<vmem>> -> memref<1x128x128xf32, #tpu.memory_space<vmem>>
        %dma_wait3A_350 = tpu.memref_squeeze %dma_wait3A_349 : memref<1x128x128xf32, #tpu.memory_space<vmem>> -> memref<128x128xf32, #tpu.memory_space<vmem>>
        %dma_wait3A_351 = arith.constant 0 : i32
        %dma_wait3A_352 = tpu.memref_slice %arg6[%run_scoped3A_256, %run_scoped3A_257, %dma_wait3A_351] : memref<4x2x128xi32, #tpu.memory_space<vmem>> -> memref<1x1x128xi32, #tpu.memory_space<vmem>>
        %dma_wait3A_353 = tpu.memref_squeeze %dma_wait3A_352 : memref<1x1x128xi32, #tpu.memory_space<vmem>> -> memref<128xi32, #tpu.memory_space<vmem>>
        %dma_wait3A_354 = arith.constant 0 : i32
        %dma_wait3A_355 = arith.constant 0 : i32
        %dma_wait3A_356 = tpu.memref_slice %arg8[%dma_wait3A_354, %dma_wait3A_355] : memref<10240x128xf32, #tpu.memory_space<vmem_shared>> -> memref<10240x128xf32, #tpu.memory_space<vmem_shared>>
        tpu.wait_indirect_dma semaphore(%run_scoped3A_336 : memref<!tpu.dma_semaphore, #tpu.memory_space<semaphore_mem>>) src(%dma_wait3A_350 : memref<128x128xf32, #tpu.memory_space<vmem>>) dst(%dma_wait3A_356 : memref<10240x128xf32, #tpu.memory_space<vmem_shared>>)
        tpu.yield
      }) : () -> ()
      %add3A_258 = arith.constant 4 : i32
      %add3A_259 = arith.addi %add3A_238, %add3A_258 : i32
      %lt3A_260 = arith.cmpi slt, %add3A_259, %select_n3A : i32
      %convert_element_type3A_261 = arith.extui %lt3A_260 : i1 to i32
      %cond3A_262 = arith.constant 0 : i32
      %cond3A_263 = arith.cmpi ne, %convert_element_type3A_261, %cond3A_262 : i32
      scf.if %cond3A_263 {
        %add3A_336 = arith.addi %add3A, %add3A_259 : i32
        %dma_start3A_337 = arith.constant 1 : i32
        %dma_start3A_338 = arith.constant 1 : i32
        %dma_start3A_339 = arith.constant 0 : i32
        %dma_start3A_340 = arith.constant 0 : i32
        %dma_start3A_341 = tpu.memref_slice %arg6[%dma_start3A_337, %dma_start3A_339, %dma_start3A_340] : memref<4x2x128xi32, #tpu.memory_space<vmem>> -> memref<1x2x128xi32, #tpu.memory_space<vmem>>
        %dma_start3A_342 = tpu.memref_squeeze %dma_start3A_341 : memref<1x2x128xi32, #tpu.memory_space<vmem>> -> memref<2x128xi32, #tpu.memory_space<vmem>>
        %dma_start3A_343 = arith.constant 0 : i32
        %dma_start3A_344 = arith.constant 0 : i32
        %dma_start3A_345 = tpu.memref_slice %arg3[%add3A_336, %dma_start3A_343, %dma_start3A_344] : memref<2560x2x128xi32, #tpu.memory_space<hbm>> -> memref<1x2x128xi32, #tpu.memory_space<hbm>>
        %dma_start3A_346 = tpu.memref_squeeze %dma_start3A_345 : memref<1x2x128xi32, #tpu.memory_space<hbm>> -> memref<2x128xi32, #tpu.memory_space<hbm>>
        %dma_start3A_347 = tpu.memref_slice %arg9[%dma_start3A_338] : memref<4x!tpu.dma_semaphore, #tpu.memory_space<semaphore_mem>> -> memref<1x!tpu.dma_semaphore, #tpu.memory_space<semaphore_mem>>
        %dma_start3A_348 = tpu.memref_squeeze %dma_start3A_347 : memref<1x!tpu.dma_semaphore, #tpu.memory_space<semaphore_mem>> -> memref<!tpu.dma_semaphore, #tpu.memory_space<semaphore_mem>>
        %dma_start3A_349 = arith.constant 0 : i32
        %dma_start3A_350 = arith.constant 0 : i32
        %dma_start3A_351 = tpu.memref_slice %arg6[%dma_start3A_337, %dma_start3A_349, %dma_start3A_350] : memref<4x2x128xi32, #tpu.memory_space<vmem>> -> memref<1x2x128xi32, #tpu.memory_space<vmem>>
        %dma_start3A_352 = tpu.memref_squeeze %dma_start3A_351 : memref<1x2x128xi32, #tpu.memory_space<vmem>> -> memref<2x128xi32, #tpu.memory_space<vmem>>
        %dma_start3A_353 = arith.constant 0 : i32
        %dma_start3A_354 = arith.constant 0 : i32
        %dma_start3A_355 = tpu.memref_slice %arg3[%add3A_336, %dma_start3A_353, %dma_start3A_354] : memref<2560x2x128xi32, #tpu.memory_space<hbm>> -> memref<1x2x128xi32, #tpu.memory_space<hbm>>
        %dma_start3A_356 = tpu.memref_squeeze %dma_start3A_355 : memref<1x2x128xi32, #tpu.memory_space<hbm>> -> memref<2x128xi32, #tpu.memory_space<hbm>>
        tpu.enqueue_dma source(%dma_start3A_356 : memref<2x128xi32, #tpu.memory_space<hbm>>) target(%dma_start3A_352 : memref<2x128xi32, #tpu.memory_space<vmem>>) target_semaphore(%dma_start3A_348 : memref<!tpu.dma_semaphore, #tpu.memory_space<semaphore_mem>>)
      } else {
      }
      %add3A_264 = arith.constant 2 : i32
      %add3A_265 = arith.addi %add3A_238, %add3A_264 : i32
      %lt3A_266 = arith.cmpi slt, %add3A_265, %select_n3A : i32
      %convert_element_type3A_267 = arith.extui %lt3A_266 : i1 to i32
      %cond3A_268 = arith.constant 0 : i32
      %cond3A_269 = arith.cmpi ne, %convert_element_type3A_267, %cond3A_268 : i32
      scf.if %cond3A_269 {
        %add3A_336 = arith.addi %add3A, %add3A_265 : i32
        %dma_wait3A_337 = arith.constant 3 : i32
        %dma_wait3A_338 = arith.constant 3 : i32
        %dma_wait3A_339 = arith.constant 0 : i32
        %dma_wait3A_340 = arith.constant 0 : i32
        %dma_wait3A_341 = tpu.memref_slice %arg6[%dma_wait3A_337, %dma_wait3A_339, %dma_wait3A_340] : memref<4x2x128xi32, #tpu.memory_space<vmem>> -> memref<1x2x128xi32, #tpu.memory_space<vmem>>
        %dma_wait3A_342 = tpu.memref_squeeze %dma_wait3A_341 : memref<1x2x128xi32, #tpu.memory_space<vmem>> -> memref<2x128xi32, #tpu.memory_space<vmem>>
        %dma_wait3A_343 = arith.constant 0 : i32
        %dma_wait3A_344 = arith.constant 0 : i32
        %dma_wait3A_345 = tpu.memref_slice %arg3[%add3A_336, %dma_wait3A_343, %dma_wait3A_344] : memref<2560x2x128xi32, #tpu.memory_space<hbm>> -> memref<1x2x128xi32, #tpu.memory_space<hbm>>
        %dma_wait3A_346 = tpu.memref_squeeze %dma_wait3A_345 : memref<1x2x128xi32, #tpu.memory_space<hbm>> -> memref<2x128xi32, #tpu.memory_space<hbm>>
        %dma_wait3A_347 = tpu.memref_slice %arg9[%dma_wait3A_338] : memref<4x!tpu.dma_semaphore, #tpu.memory_space<semaphore_mem>> -> memref<1x!tpu.dma_semaphore, #tpu.memory_space<semaphore_mem>>
        %dma_wait3A_348 = tpu.memref_squeeze %dma_wait3A_347 : memref<1x!tpu.dma_semaphore, #tpu.memory_space<semaphore_mem>> -> memref<!tpu.dma_semaphore, #tpu.memory_space<semaphore_mem>>
        %dma_wait3A_349 = arith.constant 0 : i32
        %dma_wait3A_350 = arith.constant 0 : i32
        %dma_wait3A_351 = tpu.memref_slice %arg6[%dma_wait3A_337, %dma_wait3A_349, %dma_wait3A_350] : memref<4x2x128xi32, #tpu.memory_space<vmem>> -> memref<1x2x128xi32, #tpu.memory_space<vmem>>
        %dma_wait3A_352 = tpu.memref_squeeze %dma_wait3A_351 : memref<1x2x128xi32, #tpu.memory_space<vmem>> -> memref<2x128xi32, #tpu.memory_space<vmem>>
        %dma_wait3A_353 = arith.constant 0 : i32
        %dma_wait3A_354 = arith.constant 0 : i32
        %dma_wait3A_355 = tpu.memref_slice %arg3[%add3A_336, %dma_wait3A_353, %dma_wait3A_354] : memref<2560x2x128xi32, #tpu.memory_space<hbm>> -> memref<1x2x128xi32, #tpu.memory_space<hbm>>
        %dma_wait3A_356 = tpu.memref_squeeze %dma_wait3A_355 : memref<1x2x128xi32, #tpu.memory_space<hbm>> -> memref<2x128xi32, #tpu.memory_space<hbm>>
        tpu.wait_dma2 semaphore(%dma_wait3A_348 : memref<!tpu.dma_semaphore, #tpu.memory_space<semaphore_mem>>) src(%dma_wait3A_356 : memref<2x128xi32, #tpu.memory_space<hbm>>) dst(%dma_wait3A_352 : memref<2x128xi32, #tpu.memory_space<vmem>>)
        %dma_start3A_357 = arith.constant 3 : i32
        %dma_start3A_358 = arith.constant 0 : i32
        %dma_start3A_359 = arith.constant 1 : i32
        %dma_start3A_360 = arith.constant 1 : i32
        %dma_start3A_361 = arith.constant 0 : i32
        %dma_start3A_362 = arith.constant 0 : i32
        %dma_start3A_363 = tpu.memref_slice %arg7[%dma_start3A_359, %dma_start3A_361, %dma_start3A_362] : memref<2x128x128xf32, #tpu.memory_space<vmem>> -> memref<1x128x128xf32, #tpu.memory_space<vmem>>
        %dma_start3A_364 = tpu.memref_squeeze %dma_start3A_363 : memref<1x128x128xf32, #tpu.memory_space<vmem>> -> memref<128x128xf32, #tpu.memory_space<vmem>>
        %dma_start3A_365 = arith.constant 0 : i32
        %dma_start3A_366 = tpu.memref_slice %arg6[%dma_start3A_357, %dma_start3A_358, %dma_start3A_365] : memref<4x2x128xi32, #tpu.memory_space<vmem>> -> memref<1x1x128xi32, #tpu.memory_space<vmem>>
        %dma_start3A_367 = tpu.memref_squeeze %dma_start3A_366 : memref<1x1x128xi32, #tpu.memory_space<vmem>> -> memref<128xi32, #tpu.memory_space<vmem>>
        %dma_start3A_368 = arith.constant 0 : i32
        %dma_start3A_369 = arith.constant 0 : i32
        %dma_start3A_370 = tpu.memref_slice %arg2[%dma_start3A_368, %dma_start3A_369] : memref<10000x128xf32, #tpu.memory_space<hbm>> -> memref<10000x128xf32, #tpu.memory_space<hbm>>
        %dma_start3A_371 = tpu.memref_slice %arg10[%dma_start3A_360] : memref<2x!tpu.dma_semaphore, #tpu.memory_space<semaphore_mem>> -> memref<1x!tpu.dma_semaphore, #tpu.memory_space<semaphore_mem>>
        %dma_start3A_372 = tpu.memref_squeeze %dma_start3A_371 : memref<1x!tpu.dma_semaphore, #tpu.memory_space<semaphore_mem>> -> memref<!tpu.dma_semaphore, #tpu.memory_space<semaphore_mem>>
        tpu.enqueue_indirect_dma source(%dma_start3A_370 : memref<10000x128xf32, #tpu.memory_space<hbm>>) target(%dma_start3A_364 : memref<128x128xf32, #tpu.memory_space<vmem>>) offsets(%dma_start3A_367 : memref<128xi32, #tpu.memory_space<vmem>>) semaphore(%dma_start3A_372 : memref<!tpu.dma_semaphore, #tpu.memory_space<semaphore_mem>>)
      } else {
      }
      %add3A_270 = arith.constant 2 : i32
      %add3A_271 = arith.addi %mul3A_206, %add3A_270 : i32
      %dma_wait3A_272 = arith.constant 2 : i32
      %dma_wait3A_273 = arith.constant 0 : i32
      %dma_wait3A_274 = arith.constant 0 : i32
      %dma_wait3A_275 = arith.constant 0 : i32
      %dma_wait3A_276 = arith.constant 0 : i32
      %dma_wait3A_277 = arith.constant 0 : i32
      %dma_wait3A_278 = tpu.memref_slice %arg7[%dma_wait3A_274, %dma_wait3A_276, %dma_wait3A_277] : memref<2x128x128xf32, #tpu.memory_space<vmem>> -> memref<1x128x128xf32, #tpu.memory_space<vmem>>
      %dma_wait3A_279 = tpu.memref_squeeze %dma_wait3A_278 : memref<1x128x128xf32, #tpu.memory_space<vmem>> -> memref<128x128xf32, #tpu.memory_space<vmem>>
      %dma_wait3A_280 = arith.constant 0 : i32
      %dma_wait3A_281 = tpu.memref_slice %arg6[%dma_wait3A_272, %dma_wait3A_273, %dma_wait3A_280] : memref<4x2x128xi32, #tpu.memory_space<vmem>> -> memref<1x1x128xi32, #tpu.memory_space<vmem>>
      %dma_wait3A_282 = tpu.memref_squeeze %dma_wait3A_281 : memref<1x1x128xi32, #tpu.memory_space<vmem>> -> memref<128xi32, #tpu.memory_space<vmem>>
      %dma_wait3A_283 = arith.constant 0 : i32
      %dma_wait3A_284 = arith.constant 0 : i32
      %dma_wait3A_285 = tpu.memref_slice %arg2[%dma_wait3A_283, %dma_wait3A_284] : memref<10000x128xf32, #tpu.memory_space<hbm>> -> memref<10000x128xf32, #tpu.memory_space<hbm>>
      %dma_wait3A_286 = tpu.memref_slice %arg10[%dma_wait3A_275] : memref<2x!tpu.dma_semaphore, #tpu.memory_space<semaphore_mem>> -> memref<1x!tpu.dma_semaphore, #tpu.memory_space<semaphore_mem>>
      %dma_wait3A_287 = tpu.memref_squeeze %dma_wait3A_286 : memref<1x!tpu.dma_semaphore, #tpu.memory_space<semaphore_mem>> -> memref<!tpu.dma_semaphore, #tpu.memory_space<semaphore_mem>>
      tpu.wait_indirect_dma semaphore(%dma_wait3A_287 : memref<!tpu.dma_semaphore, #tpu.memory_space<semaphore_mem>>) src(%dma_wait3A_285 : memref<10000x128xf32, #tpu.memory_space<hbm>>) dst(%dma_wait3A_279 : memref<128x128xf32, #tpu.memory_space<vmem>>)
      %run_scoped3A_288 = arith.constant 0 : i32
      %run_scoped3A_289 = arith.constant 2 : i32
      %run_scoped3A_290 = arith.constant 1 : i32
      "tpu.region"() ({
        %run_scoped3A_336 = tpu.sem_alloc : memref<!tpu.dma_semaphore, #tpu.memory_space<semaphore_mem>>
        %dma_start3A_337 = arith.constant 0 : i32
        %dma_start3A_338 = arith.constant 0 : i32
        %dma_start3A_339 = tpu.memref_slice %arg7[%run_scoped3A_288, %dma_start3A_337, %dma_start3A_338] : memref<2x128x128xf32, #tpu.memory_space<vmem>> -> memref<1x128x128xf32, #tpu.memory_space<vmem>>
        %dma_start3A_340 = tpu.memref_squeeze %dma_start3A_339 : memref<1x128x128xf32, #tpu.memory_space<vmem>> -> memref<128x128xf32, #tpu.memory_space<vmem>>
        %dma_start3A_341 = arith.constant 0 : i32
        %dma_start3A_342 = tpu.memref_slice %arg6[%run_scoped3A_289, %run_scoped3A_290, %dma_start3A_341] : memref<4x2x128xi32, #tpu.memory_space<vmem>> -> memref<1x1x128xi32, #tpu.memory_space<vmem>>
        %dma_start3A_343 = tpu.memref_squeeze %dma_start3A_342 : memref<1x1x128xi32, #tpu.memory_space<vmem>> -> memref<128xi32, #tpu.memory_space<vmem>>
        %dma_start3A_344 = arith.constant 0 : i32
        %dma_start3A_345 = arith.constant 0 : i32
        %dma_start3A_346 = tpu.memref_slice %arg8[%dma_start3A_344, %dma_start3A_345] : memref<10240x128xf32, #tpu.memory_space<vmem_shared>> -> memref<10240x128xf32, #tpu.memory_space<vmem_shared>>
        tpu.enqueue_indirect_dma source(%dma_start3A_340 : memref<128x128xf32, #tpu.memory_space<vmem>>) target(%dma_start3A_346 : memref<10240x128xf32, #tpu.memory_space<vmem_shared>>) offsets(%dma_start3A_343 : memref<128xi32, #tpu.memory_space<vmem>>) semaphore(%run_scoped3A_336 : memref<!tpu.dma_semaphore, #tpu.memory_space<semaphore_mem>>) {add = true}
        %dma_wait3A_347 = arith.constant 0 : i32
        %dma_wait3A_348 = arith.constant 0 : i32
        %dma_wait3A_349 = tpu.memref_slice %arg7[%run_scoped3A_288, %dma_wait3A_347, %dma_wait3A_348] : memref<2x128x128xf32, #tpu.memory_space<vmem>> -> memref<1x128x128xf32, #tpu.memory_space<vmem>>
        %dma_wait3A_350 = tpu.memref_squeeze %dma_wait3A_349 : memref<1x128x128xf32, #tpu.memory_space<vmem>> -> memref<128x128xf32, #tpu.memory_space<vmem>>
        %dma_wait3A_351 = arith.constant 0 : i32
        %dma_wait3A_352 = tpu.memref_slice %arg6[%run_scoped3A_289, %run_scoped3A_290, %dma_wait3A_351] : memref<4x2x128xi32, #tpu.memory_space<vmem>> -> memref<1x1x128xi32, #tpu.memory_space<vmem>>
        %dma_wait3A_353 = tpu.memref_squeeze %dma_wait3A_352 : memref<1x1x128xi32, #tpu.memory_space<vmem>> -> memref<128xi32, #tpu.memory_space<vmem>>
        %dma_wait3A_354 = arith.constant 0 : i32
        %dma_wait3A_355 = arith.constant 0 : i32
        %dma_wait3A_356 = tpu.memref_slice %arg8[%dma_wait3A_354, %dma_wait3A_355] : memref<10240x128xf32, #tpu.memory_space<vmem_shared>> -> memref<10240x128xf32, #tpu.memory_space<vmem_shared>>
        tpu.wait_indirect_dma semaphore(%run_scoped3A_336 : memref<!tpu.dma_semaphore, #tpu.memory_space<semaphore_mem>>) src(%dma_wait3A_350 : memref<128x128xf32, #tpu.memory_space<vmem>>) dst(%dma_wait3A_356 : memref<10240x128xf32, #tpu.memory_space<vmem_shared>>)
        tpu.yield
      }) : () -> ()
      %add3A_291 = arith.constant 4 : i32
      %add3A_292 = arith.addi %add3A_271, %add3A_291 : i32
      %lt3A_293 = arith.cmpi slt, %add3A_292, %select_n3A : i32
      %convert_element_type3A_294 = arith.extui %lt3A_293 : i1 to i32
      %cond3A_295 = arith.constant 0 : i32
      %cond3A_296 = arith.cmpi ne, %convert_element_type3A_294, %cond3A_295 : i32
      scf.if %cond3A_296 {
        %add3A_336 = arith.addi %add3A, %add3A_292 : i32
        %dma_start3A_337 = arith.constant 2 : i32
        %dma_start3A_338 = arith.constant 2 : i32
        %dma_start3A_339 = arith.constant 0 : i32
        %dma_start3A_340 = arith.constant 0 : i32
        %dma_start3A_341 = tpu.memref_slice %arg6[%dma_start3A_337, %dma_start3A_339, %dma_start3A_340] : memref<4x2x128xi32, #tpu.memory_space<vmem>> -> memref<1x2x128xi32, #tpu.memory_space<vmem>>
        %dma_start3A_342 = tpu.memref_squeeze %dma_start3A_341 : memref<1x2x128xi32, #tpu.memory_space<vmem>> -> memref<2x128xi32, #tpu.memory_space<vmem>>
        %dma_start3A_343 = arith.constant 0 : i32
        %dma_start3A_344 = arith.constant 0 : i32
        %dma_start3A_345 = tpu.memref_slice %arg3[%add3A_336, %dma_start3A_343, %dma_start3A_344] : memref<2560x2x128xi32, #tpu.memory_space<hbm>> -> memref<1x2x128xi32, #tpu.memory_space<hbm>>
        %dma_start3A_346 = tpu.memref_squeeze %dma_start3A_345 : memref<1x2x128xi32, #tpu.memory_space<hbm>> -> memref<2x128xi32, #tpu.memory_space<hbm>>
        %dma_start3A_347 = tpu.memref_slice %arg9[%dma_start3A_338] : memref<4x!tpu.dma_semaphore, #tpu.memory_space<semaphore_mem>> -> memref<1x!tpu.dma_semaphore, #tpu.memory_space<semaphore_mem>>
        %dma_start3A_348 = tpu.memref_squeeze %dma_start3A_347 : memref<1x!tpu.dma_semaphore, #tpu.memory_space<semaphore_mem>> -> memref<!tpu.dma_semaphore, #tpu.memory_space<semaphore_mem>>
        %dma_start3A_349 = arith.constant 0 : i32
        %dma_start3A_350 = arith.constant 0 : i32
        %dma_start3A_351 = tpu.memref_slice %arg6[%dma_start3A_337, %dma_start3A_349, %dma_start3A_350] : memref<4x2x128xi32, #tpu.memory_space<vmem>> -> memref<1x2x128xi32, #tpu.memory_space<vmem>>
        %dma_start3A_352 = tpu.memref_squeeze %dma_start3A_351 : memref<1x2x128xi32, #tpu.memory_space<vmem>> -> memref<2x128xi32, #tpu.memory_space<vmem>>
        %dma_start3A_353 = arith.constant 0 : i32
        %dma_start3A_354 = arith.constant 0 : i32
        %dma_start3A_355 = tpu.memref_slice %arg3[%add3A_336, %dma_start3A_353, %dma_start3A_354] : memref<2560x2x128xi32, #tpu.memory_space<hbm>> -> memref<1x2x128xi32, #tpu.memory_space<hbm>>
        %dma_start3A_356 = tpu.memref_squeeze %dma_start3A_355 : memref<1x2x128xi32, #tpu.memory_space<hbm>> -> memref<2x128xi32, #tpu.memory_space<hbm>>
        tpu.enqueue_dma source(%dma_start3A_356 : memref<2x128xi32, #tpu.memory_space<hbm>>) target(%dma_start3A_352 : memref<2x128xi32, #tpu.memory_space<vmem>>) target_semaphore(%dma_start3A_348 : memref<!tpu.dma_semaphore, #tpu.memory_space<semaphore_mem>>)
      } else {
      }
      %add3A_297 = arith.constant 2 : i32
      %add3A_298 = arith.addi %add3A_271, %add3A_297 : i32
      %lt3A_299 = arith.cmpi slt, %add3A_298, %select_n3A : i32
      %convert_element_type3A_300 = arith.extui %lt3A_299 : i1 to i32
      %cond3A_301 = arith.constant 0 : i32
      %cond3A_302 = arith.cmpi ne, %convert_element_type3A_300, %cond3A_301 : i32
      scf.if %cond3A_302 {
        %add3A_336 = arith.addi %add3A, %add3A_298 : i32
        %dma_wait3A_337 = arith.constant 0 : i32
        %dma_wait3A_338 = arith.constant 0 : i32
        %dma_wait3A_339 = arith.constant 0 : i32
        %dma_wait3A_340 = arith.constant 0 : i32
        %dma_wait3A_341 = tpu.memref_slice %arg6[%dma_wait3A_337, %dma_wait3A_339, %dma_wait3A_340] : memref<4x2x128xi32, #tpu.memory_space<vmem>> -> memref<1x2x128xi32, #tpu.memory_space<vmem>>
        %dma_wait3A_342 = tpu.memref_squeeze %dma_wait3A_341 : memref<1x2x128xi32, #tpu.memory_space<vmem>> -> memref<2x128xi32, #tpu.memory_space<vmem>>
        %dma_wait3A_343 = arith.constant 0 : i32
        %dma_wait3A_344 = arith.constant 0 : i32
        %dma_wait3A_345 = tpu.memref_slice %arg3[%add3A_336, %dma_wait3A_343, %dma_wait3A_344] : memref<2560x2x128xi32, #tpu.memory_space<hbm>> -> memref<1x2x128xi32, #tpu.memory_space<hbm>>
        %dma_wait3A_346 = tpu.memref_squeeze %dma_wait3A_345 : memref<1x2x128xi32, #tpu.memory_space<hbm>> -> memref<2x128xi32, #tpu.memory_space<hbm>>
        %dma_wait3A_347 = tpu.memref_slice %arg9[%dma_wait3A_338] : memref<4x!tpu.dma_semaphore, #tpu.memory_space<semaphore_mem>> -> memref<1x!tpu.dma_semaphore, #tpu.memory_space<semaphore_mem>>
        %dma_wait3A_348 = tpu.memref_squeeze %dma_wait3A_347 : memref<1x!tpu.dma_semaphore, #tpu.memory_space<semaphore_mem>> -> memref<!tpu.dma_semaphore, #tpu.memory_space<semaphore_mem>>
        %dma_wait3A_349 = arith.constant 0 : i32
        %dma_wait3A_350 = arith.constant 0 : i32
        %dma_wait3A_351 = tpu.memref_slice %arg6[%dma_wait3A_337, %dma_wait3A_349, %dma_wait3A_350] : memref<4x2x128xi32, #tpu.memory_space<vmem>> -> memref<1x2x128xi32, #tpu.memory_space<vmem>>
        %dma_wait3A_352 = tpu.memref_squeeze %dma_wait3A_351 : memref<1x2x128xi32, #tpu.memory_space<vmem>> -> memref<2x128xi32, #tpu.memory_space<vmem>>
        %dma_wait3A_353 = arith.constant 0 : i32
        %dma_wait3A_354 = arith.constant 0 : i32
        %dma_wait3A_355 = tpu.memref_slice %arg3[%add3A_336, %dma_wait3A_353, %dma_wait3A_354] : memref<2560x2x128xi32, #tpu.memory_space<hbm>> -> memref<1x2x128xi32, #tpu.memory_space<hbm>>
        %dma_wait3A_356 = tpu.memref_squeeze %dma_wait3A_355 : memref<1x2x128xi32, #tpu.memory_space<hbm>> -> memref<2x128xi32, #tpu.memory_space<hbm>>
        tpu.wait_dma2 semaphore(%dma_wait3A_348 : memref<!tpu.dma_semaphore, #tpu.memory_space<semaphore_mem>>) src(%dma_wait3A_356 : memref<2x128xi32, #tpu.memory_space<hbm>>) dst(%dma_wait3A_352 : memref<2x128xi32, #tpu.memory_space<vmem>>)
        %dma_start3A_357 = arith.constant 0 : i32
        %dma_start3A_358 = arith.constant 0 : i32
        %dma_start3A_359 = arith.constant 0 : i32
        %dma_start3A_360 = arith.constant 0 : i32
        %dma_start3A_361 = arith.constant 0 : i32
        %dma_start3A_362 = arith.constant 0 : i32
        %dma_start3A_363 = tpu.memref_slice %arg7[%dma_start3A_359, %dma_start3A_361, %dma_start3A_362] : memref<2x128x128xf32, #tpu.memory_space<vmem>> -> memref<1x128x128xf32, #tpu.memory_space<vmem>>
        %dma_start3A_364 = tpu.memref_squeeze %dma_start3A_363 : memref<1x128x128xf32, #tpu.memory_space<vmem>> -> memref<128x128xf32, #tpu.memory_space<vmem>>
        %dma_start3A_365 = arith.constant 0 : i32
        %dma_start3A_366 = tpu.memref_slice %arg6[%dma_start3A_357, %dma_start3A_358, %dma_start3A_365] : memref<4x2x128xi32, #tpu.memory_space<vmem>> -> memref<1x1x128xi32, #tpu.memory_space<vmem>>
        %dma_start3A_367 = tpu.memref_squeeze %dma_start3A_366 : memref<1x1x128xi32, #tpu.memory_space<vmem>> -> memref<128xi32, #tpu.memory_space<vmem>>
        %dma_start3A_368 = arith.constant 0 : i32
        %dma_start3A_369 = arith.constant 0 : i32
        %dma_start3A_370 = tpu.memref_slice %arg2[%dma_start3A_368, %dma_start3A_369] : memref<10000x128xf32, #tpu.memory_space<hbm>> -> memref<10000x128xf32, #tpu.memory_space<hbm>>
        %dma_start3A_371 = tpu.memref_slice %arg10[%dma_start3A_360] : memref<2x!tpu.dma_semaphore, #tpu.memory_space<semaphore_mem>> -> memref<1x!tpu.dma_semaphore, #tpu.memory_space<semaphore_mem>>
        %dma_start3A_372 = tpu.memref_squeeze %dma_start3A_371 : memref<1x!tpu.dma_semaphore, #tpu.memory_space<semaphore_mem>> -> memref<!tpu.dma_semaphore, #tpu.memory_space<semaphore_mem>>
        tpu.enqueue_indirect_dma source(%dma_start3A_370 : memref<10000x128xf32, #tpu.memory_space<hbm>>) target(%dma_start3A_364 : memref<128x128xf32, #tpu.memory_space<vmem>>) offsets(%dma_start3A_367 : memref<128xi32, #tpu.memory_space<vmem>>) semaphore(%dma_start3A_372 : memref<!tpu.dma_semaphore, #tpu.memory_space<semaphore_mem>>)
      } else {
      }
      %add3A_303 = arith.constant 3 : i32
      %add3A_304 = arith.addi %mul3A_206, %add3A_303 : i32
      %dma_wait3A_305 = arith.constant 3 : i32
      %dma_wait3A_306 = arith.constant 0 : i32
      %dma_wait3A_307 = arith.constant 1 : i32
      %dma_wait3A_308 = arith.constant 1 : i32
      %dma_wait3A_309 = arith.constant 0 : i32
      %dma_wait3A_310 = arith.constant 0 : i32
      %dma_wait3A_311 = tpu.memref_slice %arg7[%dma_wait3A_307, %dma_wait3A_309, %dma_wait3A_310] : memref<2x128x128xf32, #tpu.memory_space<vmem>> -> memref<1x128x128xf32, #tpu.memory_space<vmem>>
      %dma_wait3A_312 = tpu.memref_squeeze %dma_wait3A_311 : memref<1x128x128xf32, #tpu.memory_space<vmem>> -> memref<128x128xf32, #tpu.memory_space<vmem>>
      %dma_wait3A_313 = arith.constant 0 : i32
      %dma_wait3A_314 = tpu.memref_slice %arg6[%dma_wait3A_305, %dma_wait3A_306, %dma_wait3A_313] : memref<4x2x128xi32, #tpu.memory_space<vmem>> -> memref<1x1x128xi32, #tpu.memory_space<vmem>>
      %dma_wait3A_315 = tpu.memref_squeeze %dma_wait3A_314 : memref<1x1x128xi32, #tpu.memory_space<vmem>> -> memref<128xi32, #tpu.memory_space<vmem>>
      %dma_wait3A_316 = arith.constant 0 : i32
      %dma_wait3A_317 = arith.constant 0 : i32
      %dma_wait3A_318 = tpu.memref_slice %arg2[%dma_wait3A_316, %dma_wait3A_317] : memref<10000x128xf32, #tpu.memory_space<hbm>> -> memref<10000x128xf32, #tpu.memory_space<hbm>>
      %dma_wait3A_319 = tpu.memref_slice %arg10[%dma_wait3A_308] : memref<2x!tpu.dma_semaphore, #tpu.memory_space<semaphore_mem>> -> memref<1x!tpu.dma_semaphore, #tpu.memory_space<semaphore_mem>>
      %dma_wait3A_320 = tpu.memref_squeeze %dma_wait3A_319 : memref<1x!tpu.dma_semaphore, #tpu.memory_space<semaphore_mem>> -> memref<!tpu.dma_semaphore, #tpu.memory_space<semaphore_mem>>
      tpu.wait_indirect_dma semaphore(%dma_wait3A_320 : memref<!tpu.dma_semaphore, #tpu.memory_space<semaphore_mem>>) src(%dma_wait3A_318 : memref<10000x128xf32, #tpu.memory_space<hbm>>) dst(%dma_wait3A_312 : memref<128x128xf32, #tpu.memory_space<vmem>>)
      %run_scoped3A_321 = arith.constant 1 : i32
      %run_scoped3A_322 = arith.constant 3 : i32
      %run_scoped3A_323 = arith.constant 1 : i32
      "tpu.region"() ({
        %run_scoped3A_336 = tpu.sem_alloc : memref<!tpu.dma_semaphore, #tpu.memory_space<semaphore_mem>>
        %dma_start3A_337 = arith.constant 0 : i32
        %dma_start3A_338 = arith.constant 0 : i32
        %dma_start3A_339 = tpu.memref_slice %arg7[%run_scoped3A_321, %dma_start3A_337, %dma_start3A_338] : memref<2x128x128xf32, #tpu.memory_space<vmem>> -> memref<1x128x128xf32, #tpu.memory_space<vmem>>
        %dma_start3A_340 = tpu.memref_squeeze %dma_start3A_339 : memref<1x128x128xf32, #tpu.memory_space<vmem>> -> memref<128x128xf32, #tpu.memory_space<vmem>>
        %dma_start3A_341 = arith.constant 0 : i32
        %dma_start3A_342 = tpu.memref_slice %arg6[%run_scoped3A_322, %run_scoped3A_323, %dma_start3A_341] : memref<4x2x128xi32, #tpu.memory_space<vmem>> -> memref<1x1x128xi32, #tpu.memory_space<vmem>>
        %dma_start3A_343 = tpu.memref_squeeze %dma_start3A_342 : memref<1x1x128xi32, #tpu.memory_space<vmem>> -> memref<128xi32, #tpu.memory_space<vmem>>
        %dma_start3A_344 = arith.constant 0 : i32
        %dma_start3A_345 = arith.constant 0 : i32
        %dma_start3A_346 = tpu.memref_slice %arg8[%dma_start3A_344, %dma_start3A_345] : memref<10240x128xf32, #tpu.memory_space<vmem_shared>> -> memref<10240x128xf32, #tpu.memory_space<vmem_shared>>
        tpu.enqueue_indirect_dma source(%dma_start3A_340 : memref<128x128xf32, #tpu.memory_space<vmem>>) target(%dma_start3A_346 : memref<10240x128xf32, #tpu.memory_space<vmem_shared>>) offsets(%dma_start3A_343 : memref<128xi32, #tpu.memory_space<vmem>>) semaphore(%run_scoped3A_336 : memref<!tpu.dma_semaphore, #tpu.memory_space<semaphore_mem>>) {add = true}
        %dma_wait3A_347 = arith.constant 0 : i32
        %dma_wait3A_348 = arith.constant 0 : i32
        %dma_wait3A_349 = tpu.memref_slice %arg7[%run_scoped3A_321, %dma_wait3A_347, %dma_wait3A_348] : memref<2x128x128xf32, #tpu.memory_space<vmem>> -> memref<1x128x128xf32, #tpu.memory_space<vmem>>
        %dma_wait3A_350 = tpu.memref_squeeze %dma_wait3A_349 : memref<1x128x128xf32, #tpu.memory_space<vmem>> -> memref<128x128xf32, #tpu.memory_space<vmem>>
        %dma_wait3A_351 = arith.constant 0 : i32
        %dma_wait3A_352 = tpu.memref_slice %arg6[%run_scoped3A_322, %run_scoped3A_323, %dma_wait3A_351] : memref<4x2x128xi32, #tpu.memory_space<vmem>> -> memref<1x1x128xi32, #tpu.memory_space<vmem>>
        %dma_wait3A_353 = tpu.memref_squeeze %dma_wait3A_352 : memref<1x1x128xi32, #tpu.memory_space<vmem>> -> memref<128xi32, #tpu.memory_space<vmem>>
        %dma_wait3A_354 = arith.constant 0 : i32
        %dma_wait3A_355 = arith.constant 0 : i32
        %dma_wait3A_356 = tpu.memref_slice %arg8[%dma_wait3A_354, %dma_wait3A_355] : memref<10240x128xf32, #tpu.memory_space<vmem_shared>> -> memref<10240x128xf32, #tpu.memory_space<vmem_shared>>
        tpu.wait_indirect_dma semaphore(%run_scoped3A_336 : memref<!tpu.dma_semaphore, #tpu.memory_space<semaphore_mem>>) src(%dma_wait3A_350 : memref<128x128xf32, #tpu.memory_space<vmem>>) dst(%dma_wait3A_356 : memref<10240x128xf32, #tpu.memory_space<vmem_shared>>)
        tpu.yield
      }) : () -> ()
      %add3A_324 = arith.constant 4 : i32
      %add3A_325 = arith.addi %add3A_304, %add3A_324 : i32
      %lt3A_326 = arith.cmpi slt, %add3A_325, %select_n3A : i32
      %convert_element_type3A_327 = arith.extui %lt3A_326 : i1 to i32
      %cond3A_328 = arith.constant 0 : i32
      %cond3A_329 = arith.cmpi ne, %convert_element_type3A_327, %cond3A_328 : i32
      scf.if %cond3A_329 {
        %add3A_336 = arith.addi %add3A, %add3A_325 : i32
        %dma_start3A_337 = arith.constant 3 : i32
        %dma_start3A_338 = arith.constant 3 : i32
        %dma_start3A_339 = arith.constant 0 : i32
        %dma_start3A_340 = arith.constant 0 : i32
        %dma_start3A_341 = tpu.memref_slice %arg6[%dma_start3A_337, %dma_start3A_339, %dma_start3A_340] : memref<4x2x128xi32, #tpu.memory_space<vmem>> -> memref<1x2x128xi32, #tpu.memory_space<vmem>>
        %dma_start3A_342 = tpu.memref_squeeze %dma_start3A_341 : memref<1x2x128xi32, #tpu.memory_space<vmem>> -> memref<2x128xi32, #tpu.memory_space<vmem>>
        %dma_start3A_343 = arith.constant 0 : i32
        %dma_start3A_344 = arith.constant 0 : i32
        %dma_start3A_345 = tpu.memref_slice %arg3[%add3A_336, %dma_start3A_343, %dma_start3A_344] : memref<2560x2x128xi32, #tpu.memory_space<hbm>> -> memref<1x2x128xi32, #tpu.memory_space<hbm>>
        %dma_start3A_346 = tpu.memref_squeeze %dma_start3A_345 : memref<1x2x128xi32, #tpu.memory_space<hbm>> -> memref<2x128xi32, #tpu.memory_space<hbm>>
        %dma_start3A_347 = tpu.memref_slice %arg9[%dma_start3A_338] : memref<4x!tpu.dma_semaphore, #tpu.memory_space<semaphore_mem>> -> memref<1x!tpu.dma_semaphore, #tpu.memory_space<semaphore_mem>>
        %dma_start3A_348 = tpu.memref_squeeze %dma_start3A_347 : memref<1x!tpu.dma_semaphore, #tpu.memory_space<semaphore_mem>> -> memref<!tpu.dma_semaphore, #tpu.memory_space<semaphore_mem>>
        %dma_start3A_349 = arith.constant 0 : i32
        %dma_start3A_350 = arith.constant 0 : i32
        %dma_start3A_351 = tpu.memref_slice %arg6[%dma_start3A_337, %dma_start3A_349, %dma_start3A_350] : memref<4x2x128xi32, #tpu.memory_space<vmem>> -> memref<1x2x128xi32, #tpu.memory_space<vmem>>
        %dma_start3A_352 = tpu.memref_squeeze %dma_start3A_351 : memref<1x2x128xi32, #tpu.memory_space<vmem>> -> memref<2x128xi32, #tpu.memory_space<vmem>>
        %dma_start3A_353 = arith.constant 0 : i32
        %dma_start3A_354 = arith.constant 0 : i32
        %dma_start3A_355 = tpu.memref_slice %arg3[%add3A_336, %dma_start3A_353, %dma_start3A_354] : memref<2560x2x128xi32, #tpu.memory_space<hbm>> -> memref<1x2x128xi32, #tpu.memory_space<hbm>>
        %dma_start3A_356 = tpu.memref_squeeze %dma_start3A_355 : memref<1x2x128xi32, #tpu.memory_space<hbm>> -> memref<2x128xi32, #tpu.memory_space<hbm>>
        tpu.enqueue_dma source(%dma_start3A_356 : memref<2x128xi32, #tpu.memory_space<hbm>>) target(%dma_start3A_352 : memref<2x128xi32, #tpu.memory_space<vmem>>) target_semaphore(%dma_start3A_348 : memref<!tpu.dma_semaphore, #tpu.memory_space<semaphore_mem>>)
      } else {
      }
      %add3A_330 = arith.constant 2 : i32
      %add3A_331 = arith.addi %add3A_304, %add3A_330 : i32
      %lt3A_332 = arith.cmpi slt, %add3A_331, %select_n3A : i32
      %convert_element_type3A_333 = arith.extui %lt3A_332 : i1 to i32
      %cond3A_334 = arith.constant 0 : i32
      %cond3A_335 = arith.cmpi ne, %convert_element_type3A_333, %cond3A_334 : i32
      scf.if %cond3A_335 {
        %add3A_336 = arith.addi %add3A, %add3A_331 : i32
        %dma_wait3A_337 = arith.constant 1 : i32
        %dma_wait3A_338 = arith.constant 1 : i32
        %dma_wait3A_339 = arith.constant 0 : i32
        %dma_wait3A_340 = arith.constant 0 : i32
        %dma_wait3A_341 = tpu.memref_slice %arg6[%dma_wait3A_337, %dma_wait3A_339, %dma_wait3A_340] : memref<4x2x128xi32, #tpu.memory_space<vmem>> -> memref<1x2x128xi32, #tpu.memory_space<vmem>>
        %dma_wait3A_342 = tpu.memref_squeeze %dma_wait3A_341 : memref<1x2x128xi32, #tpu.memory_space<vmem>> -> memref<2x128xi32, #tpu.memory_space<vmem>>
        %dma_wait3A_343 = arith.constant 0 : i32
        %dma_wait3A_344 = arith.constant 0 : i32
        %dma_wait3A_345 = tpu.memref_slice %arg3[%add3A_336, %dma_wait3A_343, %dma_wait3A_344] : memref<2560x2x128xi32, #tpu.memory_space<hbm>> -> memref<1x2x128xi32, #tpu.memory_space<hbm>>
        %dma_wait3A_346 = tpu.memref_squeeze %dma_wait3A_345 : memref<1x2x128xi32, #tpu.memory_space<hbm>> -> memref<2x128xi32, #tpu.memory_space<hbm>>
        %dma_wait3A_347 = tpu.memref_slice %arg9[%dma_wait3A_338] : memref<4x!tpu.dma_semaphore, #tpu.memory_space<semaphore_mem>> -> memref<1x!tpu.dma_semaphore, #tpu.memory_space<semaphore_mem>>
        %dma_wait3A_348 = tpu.memref_squeeze %dma_wait3A_347 : memref<1x!tpu.dma_semaphore, #tpu.memory_space<semaphore_mem>> -> memref<!tpu.dma_semaphore, #tpu.memory_space<semaphore_mem>>
        %dma_wait3A_349 = arith.constant 0 : i32
        %dma_wait3A_350 = arith.constant 0 : i32
        %dma_wait3A_351 = tpu.memref_slice %arg6[%dma_wait3A_337, %dma_wait3A_349, %dma_wait3A_350] : memref<4x2x128xi32, #tpu.memory_space<vmem>> -> memref<1x2x128xi32, #tpu.memory_space<vmem>>
        %dma_wait3A_352 = tpu.memref_squeeze %dma_wait3A_351 : memref<1x2x128xi32, #tpu.memory_space<vmem>> -> memref<2x128xi32, #tpu.memory_space<vmem>>
        %dma_wait3A_353 = arith.constant 0 : i32
        %dma_wait3A_354 = arith.constant 0 : i32
        %dma_wait3A_355 = tpu.memref_slice %arg3[%add3A_336, %dma_wait3A_353, %dma_wait3A_354] : memref<2560x2x128xi32, #tpu.memory_space<hbm>> -> memref<1x2x128xi32, #tpu.memory_space<hbm>>
        %dma_wait3A_356 = tpu.memref_squeeze %dma_wait3A_355 : memref<1x2x128xi32, #tpu.memory_space<hbm>> -> memref<2x128xi32, #tpu.memory_space<hbm>>
        tpu.wait_dma2 semaphore(%dma_wait3A_348 : memref<!tpu.dma_semaphore, #tpu.memory_space<semaphore_mem>>) src(%dma_wait3A_356 : memref<2x128xi32, #tpu.memory_space<hbm>>) dst(%dma_wait3A_352 : memref<2x128xi32, #tpu.memory_space<vmem>>)
        %dma_start3A_357 = arith.constant 1 : i32
        %dma_start3A_358 = arith.constant 0 : i32
        %dma_start3A_359 = arith.constant 1 : i32
        %dma_start3A_360 = arith.constant 1 : i32
        %dma_start3A_361 = arith.constant 0 : i32
        %dma_start3A_362 = arith.constant 0 : i32
        %dma_start3A_363 = tpu.memref_slice %arg7[%dma_start3A_359, %dma_start3A_361, %dma_start3A_362] : memref<2x128x128xf32, #tpu.memory_space<vmem>> -> memref<1x128x128xf32, #tpu.memory_space<vmem>>
        %dma_start3A_364 = tpu.memref_squeeze %dma_start3A_363 : memref<1x128x128xf32, #tpu.memory_space<vmem>> -> memref<128x128xf32, #tpu.memory_space<vmem>>
        %dma_start3A_365 = arith.constant 0 : i32
        %dma_start3A_366 = tpu.memref_slice %arg6[%dma_start3A_357, %dma_start3A_358, %dma_start3A_365] : memref<4x2x128xi32, #tpu.memory_space<vmem>> -> memref<1x1x128xi32, #tpu.memory_space<vmem>>
        %dma_start3A_367 = tpu.memref_squeeze %dma_start3A_366 : memref<1x1x128xi32, #tpu.memory_space<vmem>> -> memref<128xi32, #tpu.memory_space<vmem>>
        %dma_start3A_368 = arith.constant 0 : i32
        %dma_start3A_369 = arith.constant 0 : i32
        %dma_start3A_370 = tpu.memref_slice %arg2[%dma_start3A_368, %dma_start3A_369] : memref<10000x128xf32, #tpu.memory_space<hbm>> -> memref<10000x128xf32, #tpu.memory_space<hbm>>
        %dma_start3A_371 = tpu.memref_slice %arg10[%dma_start3A_360] : memref<2x!tpu.dma_semaphore, #tpu.memory_space<semaphore_mem>> -> memref<1x!tpu.dma_semaphore, #tpu.memory_space<semaphore_mem>>
        %dma_start3A_372 = tpu.memref_squeeze %dma_start3A_371 : memref<1x!tpu.dma_semaphore, #tpu.memory_space<semaphore_mem>> -> memref<!tpu.dma_semaphore, #tpu.memory_space<semaphore_mem>>
        tpu.enqueue_indirect_dma source(%dma_start3A_370 : memref<10000x128xf32, #tpu.memory_space<hbm>>) target(%dma_start3A_364 : memref<128x128xf32, #tpu.memory_space<vmem>>) offsets(%dma_start3A_367 : memref<128xi32, #tpu.memory_space<vmem>>) semaphore(%dma_start3A_372 : memref<!tpu.dma_semaphore, #tpu.memory_space<semaphore_mem>>)
      } else {
      }
    }
    %while3A_198 = arith.constant 1 : i32
    scf.for %while3A_204 = %while3A_196 to %while3A_192 step %while3A_198  : i32 {
      %mul3A_205 = arith.constant 4 : i32
      %mul3A_206 = arith.muli %while3A_204, %mul3A_205 : i32
      %add3A_207 = arith.constant 0 : i32
      %add3A_208 = arith.addi %mul3A_206, %add3A_207 : i32
      %dma_wait3A_209 = arith.constant 0 : i32
      %dma_wait3A_210 = arith.constant 0 : i32
      %dma_wait3A_211 = arith.constant 0 : i32
      %dma_wait3A_212 = arith.constant 0 : i32
      %dma_wait3A_213 = arith.constant 0 : i32
      %dma_wait3A_214 = arith.constant 0 : i32
      %dma_wait3A_215 = tpu.memref_slice %arg7[%dma_wait3A_211, %dma_wait3A_213, %dma_wait3A_214] : memref<2x128x128xf32, #tpu.memory_space<vmem>> -> memref<1x128x128xf32, #tpu.memory_space<vmem>>
      %dma_wait3A_216 = tpu.memref_squeeze %dma_wait3A_215 : memref<1x128x128xf32, #tpu.memory_space<vmem>> -> memref<128x128xf32, #tpu.memory_space<vmem>>
      %dma_wait3A_217 = arith.constant 0 : i32
      %dma_wait3A_218 = tpu.memref_slice %arg6[%dma_wait3A_209, %dma_wait3A_210, %dma_wait3A_217] : memref<4x2x128xi32, #tpu.memory_space<vmem>> -> memref<1x1x128xi32, #tpu.memory_space<vmem>>
      %dma_wait3A_219 = tpu.memref_squeeze %dma_wait3A_218 : memref<1x1x128xi32, #tpu.memory_space<vmem>> -> memref<128xi32, #tpu.memory_space<vmem>>
      %dma_wait3A_220 = arith.constant 0 : i32
      %dma_wait3A_221 = arith.constant 0 : i32
      %dma_wait3A_222 = tpu.memref_slice %arg2[%dma_wait3A_220, %dma_wait3A_221] : memref<10000x128xf32, #tpu.memory_space<hbm>> -> memref<10000x128xf32, #tpu.memory_space<hbm>>
      %dma_wait3A_223 = tpu.memref_slice %arg10[%dma_wait3A_212] : memref<2x!tpu.dma_semaphore, #tpu.memory_space<semaphore_mem>> -> memref<1x!tpu.dma_semaphore, #tpu.memory_space<semaphore_mem>>
      %dma_wait3A_224 = tpu.memref_squeeze %dma_wait3A_223 : memref<1x!tpu.dma_semaphore, #tpu.memory_space<semaphore_mem>> -> memref<!tpu.dma_semaphore, #tpu.memory_space<semaphore_mem>>
      tpu.wait_indirect_dma semaphore(%dma_wait3A_224 : memref<!tpu.dma_semaphore, #tpu.memory_space<semaphore_mem>>) src(%dma_wait3A_222 : memref<10000x128xf32, #tpu.memory_space<hbm>>) dst(%dma_wait3A_216 : memref<128x128xf32, #tpu.memory_space<vmem>>)
      %run_scoped3A_225 = arith.constant 0 : i32
      %run_scoped3A_226 = arith.constant 0 : i32
      %run_scoped3A_227 = arith.constant 1 : i32
      "tpu.region"() ({
        %run_scoped3A_336 = tpu.sem_alloc : memref<!tpu.dma_semaphore, #tpu.memory_space<semaphore_mem>>
        %dma_start3A_337 = arith.constant 0 : i32
        %dma_start3A_338 = arith.constant 0 : i32
        %dma_start3A_339 = tpu.memref_slice %arg7[%run_scoped3A_225, %dma_start3A_337, %dma_start3A_338] : memref<2x128x128xf32, #tpu.memory_space<vmem>> -> memref<1x128x128xf32, #tpu.memory_space<vmem>>
        %dma_start3A_340 = tpu.memref_squeeze %dma_start3A_339 : memref<1x128x128xf32, #tpu.memory_space<vmem>> -> memref<128x128xf32, #tpu.memory_space<vmem>>
        %dma_start3A_341 = arith.constant 0 : i32
        %dma_start3A_342 = tpu.memref_slice %arg6[%run_scoped3A_226, %run_scoped3A_227, %dma_start3A_341] : memref<4x2x128xi32, #tpu.memory_space<vmem>> -> memref<1x1x128xi32, #tpu.memory_space<vmem>>
        %dma_start3A_343 = tpu.memref_squeeze %dma_start3A_342 : memref<1x1x128xi32, #tpu.memory_space<vmem>> -> memref<128xi32, #tpu.memory_space<vmem>>
        %dma_start3A_344 = arith.constant 0 : i32
        %dma_start3A_345 = arith.constant 0 : i32
        %dma_start3A_346 = tpu.memref_slice %arg8[%dma_start3A_344, %dma_start3A_345] : memref<10240x128xf32, #tpu.memory_space<vmem_shared>> -> memref<10240x128xf32, #tpu.memory_space<vmem_shared>>
        tpu.enqueue_indirect_dma source(%dma_start3A_340 : memref<128x128xf32, #tpu.memory_space<vmem>>) target(%dma_start3A_346 : memref<10240x128xf32, #tpu.memory_space<vmem_shared>>) offsets(%dma_start3A_343 : memref<128xi32, #tpu.memory_space<vmem>>) semaphore(%run_scoped3A_336 : memref<!tpu.dma_semaphore, #tpu.memory_space<semaphore_mem>>) {add = true}
        %dma_wait3A_347 = arith.constant 0 : i32
        %dma_wait3A_348 = arith.constant 0 : i32
        %dma_wait3A_349 = tpu.memref_slice %arg7[%run_scoped3A_225, %dma_wait3A_347, %dma_wait3A_348] : memref<2x128x128xf32, #tpu.memory_space<vmem>> -> memref<1x128x128xf32, #tpu.memory_space<vmem>>
        %dma_wait3A_350 = tpu.memref_squeeze %dma_wait3A_349 : memref<1x128x128xf32, #tpu.memory_space<vmem>> -> memref<128x128xf32, #tpu.memory_space<vmem>>
        %dma_wait3A_351 = arith.constant 0 : i32
        %dma_wait3A_352 = tpu.memref_slice %arg6[%run_scoped3A_226, %run_scoped3A_227, %dma_wait3A_351] : memref<4x2x128xi32, #tpu.memory_space<vmem>> -> memref<1x1x128xi32, #tpu.memory_space<vmem>>
        %dma_wait3A_353 = tpu.memref_squeeze %dma_wait3A_352 : memref<1x1x128xi32, #tpu.memory_space<vmem>> -> memref<128xi32, #tpu.memory_space<vmem>>
        %dma_wait3A_354 = arith.constant 0 : i32
        %dma_wait3A_355 = arith.constant 0 : i32
        %dma_wait3A_356 = tpu.memref_slice %arg8[%dma_wait3A_354, %dma_wait3A_355] : memref<10240x128xf32, #tpu.memory_space<vmem_shared>> -> memref<10240x128xf32, #tpu.memory_space<vmem_shared>>
        tpu.wait_indirect_dma semaphore(%run_scoped3A_336 : memref<!tpu.dma_semaphore, #tpu.memory_space<semaphore_mem>>) src(%dma_wait3A_350 : memref<128x128xf32, #tpu.memory_space<vmem>>) dst(%dma_wait3A_356 : memref<10240x128xf32, #tpu.memory_space<vmem_shared>>)
        tpu.yield
      }) : () -> ()
      %add3A_228 = arith.constant 4 : i32
      %add3A_229 = arith.addi %add3A_208, %add3A_228 : i32
      %lt3A = arith.cmpi slt, %add3A_229, %select_n3A : i32
      %convert_element_type3A = arith.extui %lt3A : i1 to i32
      %cond3A = arith.constant 0 : i32
      %cond3A_230 = arith.cmpi ne, %convert_element_type3A, %cond3A : i32
      scf.if %cond3A_230 {
        %add3A_336 = arith.addi %add3A, %add3A_229 : i32
        %dma_start3A_337 = arith.constant 0 : i32
        %dma_start3A_338 = arith.constant 0 : i32
        %dma_start3A_339 = arith.constant 0 : i32
        %dma_start3A_340 = arith.constant 0 : i32
        %dma_start3A_341 = tpu.memref_slice %arg6[%dma_start3A_337, %dma_start3A_339, %dma_start3A_340] : memref<4x2x128xi32, #tpu.memory_space<vmem>> -> memref<1x2x128xi32, #tpu.memory_space<vmem>>
        %dma_start3A_342 = tpu.memref_squeeze %dma_start3A_341 : memref<1x2x128xi32, #tpu.memory_space<vmem>> -> memref<2x128xi32, #tpu.memory_space<vmem>>
        %dma_start3A_343 = arith.constant 0 : i32
        %dma_start3A_344 = arith.constant 0 : i32
        %dma_start3A_345 = tpu.memref_slice %arg3[%add3A_336, %dma_start3A_343, %dma_start3A_344] : memref<2560x2x128xi32, #tpu.memory_space<hbm>> -> memref<1x2x128xi32, #tpu.memory_space<hbm>>
        %dma_start3A_346 = tpu.memref_squeeze %dma_start3A_345 : memref<1x2x128xi32, #tpu.memory_space<hbm>> -> memref<2x128xi32, #tpu.memory_space<hbm>>
        %dma_start3A_347 = tpu.memref_slice %arg9[%dma_start3A_338] : memref<4x!tpu.dma_semaphore, #tpu.memory_space<semaphore_mem>> -> memref<1x!tpu.dma_semaphore, #tpu.memory_space<semaphore_mem>>
        %dma_start3A_348 = tpu.memref_squeeze %dma_start3A_347 : memref<1x!tpu.dma_semaphore, #tpu.memory_space<semaphore_mem>> -> memref<!tpu.dma_semaphore, #tpu.memory_space<semaphore_mem>>
        %dma_start3A_349 = arith.constant 0 : i32
        %dma_start3A_350 = arith.constant 0 : i32
        %dma_start3A_351 = tpu.memref_slice %arg6[%dma_start3A_337, %dma_start3A_349, %dma_start3A_350] : memref<4x2x128xi32, #tpu.memory_space<vmem>> -> memref<1x2x128xi32, #tpu.memory_space<vmem>>
        %dma_start3A_352 = tpu.memref_squeeze %dma_start3A_351 : memref<1x2x128xi32, #tpu.memory_space<vmem>> -> memref<2x128xi32, #tpu.memory_space<vmem>>
        %dma_start3A_353 = arith.constant 0 : i32
        %dma_start3A_354 = arith.constant 0 : i32
        %dma_start3A_355 = tpu.memref_slice %arg3[%add3A_336, %dma_start3A_353, %dma_start3A_354] : memref<2560x2x128xi32, #tpu.memory_space<hbm>> -> memref<1x2x128xi32, #tpu.memory_space<hbm>>
        %dma_start3A_356 = tpu.memref_squeeze %dma_start3A_355 : memref<1x2x128xi32, #tpu.memory_space<hbm>> -> memref<2x128xi32, #tpu.memory_space<hbm>>
        tpu.enqueue_dma source(%dma_start3A_356 : memref<2x128xi32, #tpu.memory_space<hbm>>) target(%dma_start3A_352 : memref<2x128xi32, #tpu.memory_space<vmem>>) target_semaphore(%dma_start3A_348 : memref<!tpu.dma_semaphore, #tpu.memory_space<semaphore_mem>>)
      } else {
      }
      %add3A_231 = arith.constant 2 : i32
      %add3A_232 = arith.addi %add3A_208, %add3A_231 : i32
      %lt3A_233 = arith.cmpi slt, %add3A_232, %select_n3A : i32
      %convert_element_type3A_234 = arith.extui %lt3A_233 : i1 to i32
      %cond3A_235 = arith.constant 0 : i32
      %cond3A_236 = arith.cmpi ne, %convert_element_type3A_234, %cond3A_235 : i32
      scf.if %cond3A_236 {
        %add3A_336 = arith.addi %add3A, %add3A_232 : i32
        %dma_wait3A_337 = arith.constant 2 : i32
        %dma_wait3A_338 = arith.constant 2 : i32
        %dma_wait3A_339 = arith.constant 0 : i32
        %dma_wait3A_340 = arith.constant 0 : i32
        %dma_wait3A_341 = tpu.memref_slice %arg6[%dma_wait3A_337, %dma_wait3A_339, %dma_wait3A_340] : memref<4x2x128xi32, #tpu.memory_space<vmem>> -> memref<1x2x128xi32, #tpu.memory_space<vmem>>
        %dma_wait3A_342 = tpu.memref_squeeze %dma_wait3A_341 : memref<1x2x128xi32, #tpu.memory_space<vmem>> -> memref<2x128xi32, #tpu.memory_space<vmem>>
        %dma_wait3A_343 = arith.constant 0 : i32
        %dma_wait3A_344 = arith.constant 0 : i32
        %dma_wait3A_345 = tpu.memref_slice %arg3[%add3A_336, %dma_wait3A_343, %dma_wait3A_344] : memref<2560x2x128xi32, #tpu.memory_space<hbm>> -> memref<1x2x128xi32, #tpu.memory_space<hbm>>
        %dma_wait3A_346 = tpu.memref_squeeze %dma_wait3A_345 : memref<1x2x128xi32, #tpu.memory_space<hbm>> -> memref<2x128xi32, #tpu.memory_space<hbm>>
        %dma_wait3A_347 = tpu.memref_slice %arg9[%dma_wait3A_338] : memref<4x!tpu.dma_semaphore, #tpu.memory_space<semaphore_mem>> -> memref<1x!tpu.dma_semaphore, #tpu.memory_space<semaphore_mem>>
        %dma_wait3A_348 = tpu.memref_squeeze %dma_wait3A_347 : memref<1x!tpu.dma_semaphore, #tpu.memory_space<semaphore_mem>> -> memref<!tpu.dma_semaphore, #tpu.memory_space<semaphore_mem>>
        %dma_wait3A_349 = arith.constant 0 : i32
        %dma_wait3A_350 = arith.constant 0 : i32
        %dma_wait3A_351 = tpu.memref_slice %arg6[%dma_wait3A_337, %dma_wait3A_349, %dma_wait3A_350] : memref<4x2x128xi32, #tpu.memory_space<vmem>> -> memref<1x2x128xi32, #tpu.memory_space<vmem>>
        %dma_wait3A_352 = tpu.memref_squeeze %dma_wait3A_351 : memref<1x2x128xi32, #tpu.memory_space<vmem>> -> memref<2x128xi32, #tpu.memory_space<vmem>>
        %dma_wait3A_353 = arith.constant 0 : i32
        %dma_wait3A_354 = arith.constant 0 : i32
        %dma_wait3A_355 = tpu.memref_slice %arg3[%add3A_336, %dma_wait3A_353, %dma_wait3A_354] : memref<2560x2x128xi32, #tpu.memory_space<hbm>> -> memref<1x2x128xi32, #tpu.memory_space<hbm>>
        %dma_wait3A_356 = tpu.memref_squeeze %dma_wait3A_355 : memref<1x2x128xi32, #tpu.memory_space<hbm>> -> memref<2x128xi32, #tpu.memory_space<hbm>>
        tpu.wait_dma2 semaphore(%dma_wait3A_348 : memref<!tpu.dma_semaphore, #tpu.memory_space<semaphore_mem>>) src(%dma_wait3A_356 : memref<2x128xi32, #tpu.memory_space<hbm>>) dst(%dma_wait3A_352 : memref<2x128xi32, #tpu.memory_space<vmem>>)
        %dma_start3A_357 = arith.constant 2 : i32
        %dma_start3A_358 = arith.constant 0 : i32
        %dma_start3A_359 = arith.constant 0 : i32
        %dma_start3A_360 = arith.constant 0 : i32
        %dma_start3A_361 = arith.constant 0 : i32
        %dma_start3A_362 = arith.constant 0 : i32
        %dma_start3A_363 = tpu.memref_slice %arg7[%dma_start3A_359, %dma_start3A_361, %dma_start3A_362] : memref<2x128x128xf32, #tpu.memory_space<vmem>> -> memref<1x128x128xf32, #tpu.memory_space<vmem>>
        %dma_start3A_364 = tpu.memref_squeeze %dma_start3A_363 : memref<1x128x128xf32, #tpu.memory_space<vmem>> -> memref<128x128xf32, #tpu.memory_space<vmem>>
        %dma_start3A_365 = arith.constant 0 : i32
        %dma_start3A_366 = tpu.memref_slice %arg6[%dma_start3A_357, %dma_start3A_358, %dma_start3A_365] : memref<4x2x128xi32, #tpu.memory_space<vmem>> -> memref<1x1x128xi32, #tpu.memory_space<vmem>>
        %dma_start3A_367 = tpu.memref_squeeze %dma_start3A_366 : memref<1x1x128xi32, #tpu.memory_space<vmem>> -> memref<128xi32, #tpu.memory_space<vmem>>
        %dma_start3A_368 = arith.constant 0 : i32
        %dma_start3A_369 = arith.constant 0 : i32
        %dma_start3A_370 = tpu.memref_slice %arg2[%dma_start3A_368, %dma_start3A_369] : memref<10000x128xf32, #tpu.memory_space<hbm>> -> memref<10000x128xf32, #tpu.memory_space<hbm>>
        %dma_start3A_371 = tpu.memref_slice %arg10[%dma_start3A_360] : memref<2x!tpu.dma_semaphore, #tpu.memory_space<semaphore_mem>> -> memref<1x!tpu.dma_semaphore, #tpu.memory_space<semaphore_mem>>
        %dma_start3A_372 = tpu.memref_squeeze %dma_start3A_371 : memref<1x!tpu.dma_semaphore, #tpu.memory_space<semaphore_mem>> -> memref<!tpu.dma_semaphore, #tpu.memory_space<semaphore_mem>>
        tpu.enqueue_indirect_dma source(%dma_start3A_370 : memref<10000x128xf32, #tpu.memory_space<hbm>>) target(%dma_start3A_364 : memref<128x128xf32, #tpu.memory_space<vmem>>) offsets(%dma_start3A_367 : memref<128xi32, #tpu.memory_space<vmem>>) semaphore(%dma_start3A_372 : memref<!tpu.dma_semaphore, #tpu.memory_space<semaphore_mem>>)
      } else {
      }
      %add3A_237 = arith.constant 1 : i32
      %add3A_238 = arith.addi %mul3A_206, %add3A_237 : i32
      %dma_wait3A_239 = arith.constant 1 : i32
      %dma_wait3A_240 = arith.constant 0 : i32
      %dma_wait3A_241 = arith.constant 1 : i32
      %dma_wait3A_242 = arith.constant 1 : i32
      %dma_wait3A_243 = arith.constant 0 : i32
      %dma_wait3A_244 = arith.constant 0 : i32
      %dma_wait3A_245 = tpu.memref_slice %arg7[%dma_wait3A_241, %dma_wait3A_243, %dma_wait3A_244] : memref<2x128x128xf32, #tpu.memory_space<vmem>> -> memref<1x128x128xf32, #tpu.memory_space<vmem>>
      %dma_wait3A_246 = tpu.memref_squeeze %dma_wait3A_245 : memref<1x128x128xf32, #tpu.memory_space<vmem>> -> memref<128x128xf32, #tpu.memory_space<vmem>>
      %dma_wait3A_247 = arith.constant 0 : i32
      %dma_wait3A_248 = tpu.memref_slice %arg6[%dma_wait3A_239, %dma_wait3A_240, %dma_wait3A_247] : memref<4x2x128xi32, #tpu.memory_space<vmem>> -> memref<1x1x128xi32, #tpu.memory_space<vmem>>
      %dma_wait3A_249 = tpu.memref_squeeze %dma_wait3A_248 : memref<1x1x128xi32, #tpu.memory_space<vmem>> -> memref<128xi32, #tpu.memory_space<vmem>>
      %dma_wait3A_250 = arith.constant 0 : i32
      %dma_wait3A_251 = arith.constant 0 : i32
      %dma_wait3A_252 = tpu.memref_slice %arg2[%dma_wait3A_250, %dma_wait3A_251] : memref<10000x128xf32, #tpu.memory_space<hbm>> -> memref<10000x128xf32, #tpu.memory_space<hbm>>
      %dma_wait3A_253 = tpu.memref_slice %arg10[%dma_wait3A_242] : memref<2x!tpu.dma_semaphore, #tpu.memory_space<semaphore_mem>> -> memref<1x!tpu.dma_semaphore, #tpu.memory_space<semaphore_mem>>
      %dma_wait3A_254 = tpu.memref_squeeze %dma_wait3A_253 : memref<1x!tpu.dma_semaphore, #tpu.memory_space<semaphore_mem>> -> memref<!tpu.dma_semaphore, #tpu.memory_space<semaphore_mem>>
      tpu.wait_indirect_dma semaphore(%dma_wait3A_254 : memref<!tpu.dma_semaphore, #tpu.memory_space<semaphore_mem>>) src(%dma_wait3A_252 : memref<10000x128xf32, #tpu.memory_space<hbm>>) dst(%dma_wait3A_246 : memref<128x128xf32, #tpu.memory_space<vmem>>)
      %run_scoped3A_255 = arith.constant 1 : i32
      %run_scoped3A_256 = arith.constant 1 : i32
      %run_scoped3A_257 = arith.constant 1 : i32
      "tpu.region"() ({
        %run_scoped3A_336 = tpu.sem_alloc : memref<!tpu.dma_semaphore, #tpu.memory_space<semaphore_mem>>
        %dma_start3A_337 = arith.constant 0 : i32
        %dma_start3A_338 = arith.constant 0 : i32
        %dma_start3A_339 = tpu.memref_slice %arg7[%run_scoped3A_255, %dma_start3A_337, %dma_start3A_338] : memref<2x128x128xf32, #tpu.memory_space<vmem>> -> memref<1x128x128xf32, #tpu.memory_space<vmem>>
        %dma_start3A_340 = tpu.memref_squeeze %dma_start3A_339 : memref<1x128x128xf32, #tpu.memory_space<vmem>> -> memref<128x128xf32, #tpu.memory_space<vmem>>
        %dma_start3A_341 = arith.constant 0 : i32
        %dma_start3A_342 = tpu.memref_slice %arg6[%run_scoped3A_256, %run_scoped3A_257, %dma_start3A_341] : memref<4x2x128xi32, #tpu.memory_space<vmem>> -> memref<1x1x128xi32, #tpu.memory_space<vmem>>
        %dma_start3A_343 = tpu.memref_squeeze %dma_start3A_342 : memref<1x1x128xi32, #tpu.memory_space<vmem>> -> memref<128xi32, #tpu.memory_space<vmem>>
        %dma_start3A_344 = arith.constant 0 : i32
        %dma_start3A_345 = arith.constant 0 : i32
        %dma_start3A_346 = tpu.memref_slice %arg8[%dma_start3A_344, %dma_start3A_345] : memref<10240x128xf32, #tpu.memory_space<vmem_shared>> -> memref<10240x128xf32, #tpu.memory_space<vmem_shared>>
        tpu.enqueue_indirect_dma source(%dma_start3A_340 : memref<128x128xf32, #tpu.memory_space<vmem>>) target(%dma_start3A_346 : memref<10240x128xf32, #tpu.memory_space<vmem_shared>>) offsets(%dma_start3A_343 : memref<128xi32, #tpu.memory_space<vmem>>) semaphore(%run_scoped3A_336 : memref<!tpu.dma_semaphore, #tpu.memory_space<semaphore_mem>>) {add = true}
        %dma_wait3A_347 = arith.constant 0 : i32
        %dma_wait3A_348 = arith.constant 0 : i32
        %dma_wait3A_349 = tpu.memref_slice %arg7[%run_scoped3A_255, %dma_wait3A_347, %dma_wait3A_348] : memref<2x128x128xf32, #tpu.memory_space<vmem>> -> memref<1x128x128xf32, #tpu.memory_space<vmem>>
        %dma_wait3A_350 = tpu.memref_squeeze %dma_wait3A_349 : memref<1x128x128xf32, #tpu.memory_space<vmem>> -> memref<128x128xf32, #tpu.memory_space<vmem>>
        %dma_wait3A_351 = arith.constant 0 : i32
        %dma_wait3A_352 = tpu.memref_slice %arg6[%run_scoped3A_256, %run_scoped3A_257, %dma_wait3A_351] : memref<4x2x128xi32, #tpu.memory_space<vmem>> -> memref<1x1x128xi32, #tpu.memory_space<vmem>>
        %dma_wait3A_353 = tpu.memref_squeeze %dma_wait3A_352 : memref<1x1x128xi32, #tpu.memory_space<vmem>> -> memref<128xi32, #tpu.memory_space<vmem>>
        %dma_wait3A_354 = arith.constant 0 : i32
        %dma_wait3A_355 = arith.constant 0 : i32
        %dma_wait3A_356 = tpu.memref_slice %arg8[%dma_wait3A_354, %dma_wait3A_355] : memref<10240x128xf32, #tpu.memory_space<vmem_shared>> -> memref<10240x128xf32, #tpu.memory_space<vmem_shared>>
        tpu.wait_indirect_dma semaphore(%run_scoped3A_336 : memref<!tpu.dma_semaphore, #tpu.memory_space<semaphore_mem>>) src(%dma_wait3A_350 : memref<128x128xf32, #tpu.memory_space<vmem>>) dst(%dma_wait3A_356 : memref<10240x128xf32, #tpu.memory_space<vmem_shared>>)
        tpu.yield
      }) : () -> ()
      %add3A_258 = arith.constant 4 : i32
      %add3A_259 = arith.addi %add3A_238, %add3A_258 : i32
      %lt3A_260 = arith.cmpi slt, %add3A_259, %select_n3A : i32
      %convert_element_type3A_261 = arith.extui %lt3A_260 : i1 to i32
      %cond3A_262 = arith.constant 0 : i32
      %cond3A_263 = arith.cmpi ne, %convert_element_type3A_261, %cond3A_262 : i32
      scf.if %cond3A_263 {
        %add3A_336 = arith.addi %add3A, %add3A_259 : i32
        %dma_start3A_337 = arith.constant 1 : i32
        %dma_start3A_338 = arith.constant 1 : i32
        %dma_start3A_339 = arith.constant 0 : i32
        %dma_start3A_340 = arith.constant 0 : i32
        %dma_start3A_341 = tpu.memref_slice %arg6[%dma_start3A_337, %dma_start3A_339, %dma_start3A_340] : memref<4x2x128xi32, #tpu.memory_space<vmem>> -> memref<1x2x128xi32, #tpu.memory_space<vmem>>
        %dma_start3A_342 = tpu.memref_squeeze %dma_start3A_341 : memref<1x2x128xi32, #tpu.memory_space<vmem>> -> memref<2x128xi32, #tpu.memory_space<vmem>>
        %dma_start3A_343 = arith.constant 0 : i32
        %dma_start3A_344 = arith.constant 0 : i32
        %dma_start3A_345 = tpu.memref_slice %arg3[%add3A_336, %dma_start3A_343, %dma_start3A_344] : memref<2560x2x128xi32, #tpu.memory_space<hbm>> -> memref<1x2x128xi32, #tpu.memory_space<hbm>>
        %dma_start3A_346 = tpu.memref_squeeze %dma_start3A_345 : memref<1x2x128xi32, #tpu.memory_space<hbm>> -> memref<2x128xi32, #tpu.memory_space<hbm>>
        %dma_start3A_347 = tpu.memref_slice %arg9[%dma_start3A_338] : memref<4x!tpu.dma_semaphore, #tpu.memory_space<semaphore_mem>> -> memref<1x!tpu.dma_semaphore, #tpu.memory_space<semaphore_mem>>
        %dma_start3A_348 = tpu.memref_squeeze %dma_start3A_347 : memref<1x!tpu.dma_semaphore, #tpu.memory_space<semaphore_mem>> -> memref<!tpu.dma_semaphore, #tpu.memory_space<semaphore_mem>>
        %dma_start3A_349 = arith.constant 0 : i32
        %dma_start3A_350 = arith.constant 0 : i32
        %dma_start3A_351 = tpu.memref_slice %arg6[%dma_start3A_337, %dma_start3A_349, %dma_start3A_350] : memref<4x2x128xi32, #tpu.memory_space<vmem>> -> memref<1x2x128xi32, #tpu.memory_space<vmem>>
        %dma_start3A_352 = tpu.memref_squeeze %dma_start3A_351 : memref<1x2x128xi32, #tpu.memory_space<vmem>> -> memref<2x128xi32, #tpu.memory_space<vmem>>
        %dma_start3A_353 = arith.constant 0 : i32
        %dma_start3A_354 = arith.constant 0 : i32
        %dma_start3A_355 = tpu.memref_slice %arg3[%add3A_336, %dma_start3A_353, %dma_start3A_354] : memref<2560x2x128xi32, #tpu.memory_space<hbm>> -> memref<1x2x128xi32, #tpu.memory_space<hbm>>
        %dma_start3A_356 = tpu.memref_squeeze %dma_start3A_355 : memref<1x2x128xi32, #tpu.memory_space<hbm>> -> memref<2x128xi32, #tpu.memory_space<hbm>>
        tpu.enqueue_dma source(%dma_start3A_356 : memref<2x128xi32, #tpu.memory_space<hbm>>) target(%dma_start3A_352 : memref<2x128xi32, #tpu.memory_space<vmem>>) target_semaphore(%dma_start3A_348 : memref<!tpu.dma_semaphore, #tpu.memory_space<semaphore_mem>>)
      } else {
      }
      %add3A_264 = arith.constant 2 : i32
      %add3A_265 = arith.addi %add3A_238, %add3A_264 : i32
      %lt3A_266 = arith.cmpi slt, %add3A_265, %select_n3A : i32
      %convert_element_type3A_267 = arith.extui %lt3A_266 : i1 to i32
      %cond3A_268 = arith.constant 0 : i32
      %cond3A_269 = arith.cmpi ne, %convert_element_type3A_267, %cond3A_268 : i32
      scf.if %cond3A_269 {
        %add3A_336 = arith.addi %add3A, %add3A_265 : i32
        %dma_wait3A_337 = arith.constant 3 : i32
        %dma_wait3A_338 = arith.constant 3 : i32
        %dma_wait3A_339 = arith.constant 0 : i32
        %dma_wait3A_340 = arith.constant 0 : i32
        %dma_wait3A_341 = tpu.memref_slice %arg6[%dma_wait3A_337, %dma_wait3A_339, %dma_wait3A_340] : memref<4x2x128xi32, #tpu.memory_space<vmem>> -> memref<1x2x128xi32, #tpu.memory_space<vmem>>
        %dma_wait3A_342 = tpu.memref_squeeze %dma_wait3A_341 : memref<1x2x128xi32, #tpu.memory_space<vmem>> -> memref<2x128xi32, #tpu.memory_space<vmem>>
        %dma_wait3A_343 = arith.constant 0 : i32
        %dma_wait3A_344 = arith.constant 0 : i32
        %dma_wait3A_345 = tpu.memref_slice %arg3[%add3A_336, %dma_wait3A_343, %dma_wait3A_344] : memref<2560x2x128xi32, #tpu.memory_space<hbm>> -> memref<1x2x128xi32, #tpu.memory_space<hbm>>
        %dma_wait3A_346 = tpu.memref_squeeze %dma_wait3A_345 : memref<1x2x128xi32, #tpu.memory_space<hbm>> -> memref<2x128xi32, #tpu.memory_space<hbm>>
        %dma_wait3A_347 = tpu.memref_slice %arg9[%dma_wait3A_338] : memref<4x!tpu.dma_semaphore, #tpu.memory_space<semaphore_mem>> -> memref<1x!tpu.dma_semaphore, #tpu.memory_space<semaphore_mem>>
        %dma_wait3A_348 = tpu.memref_squeeze %dma_wait3A_347 : memref<1x!tpu.dma_semaphore, #tpu.memory_space<semaphore_mem>> -> memref<!tpu.dma_semaphore, #tpu.memory_space<semaphore_mem>>
        %dma_wait3A_349 = arith.constant 0 : i32
        %dma_wait3A_350 = arith.constant 0 : i32
        %dma_wait3A_351 = tpu.memref_slice %arg6[%dma_wait3A_337, %dma_wait3A_349, %dma_wait3A_350] : memref<4x2x128xi32, #tpu.memory_space<vmem>> -> memref<1x2x128xi32, #tpu.memory_space<vmem>>
        %dma_wait3A_352 = tpu.memref_squeeze %dma_wait3A_351 : memref<1x2x128xi32, #tpu.memory_space<vmem>> -> memref<2x128xi32, #tpu.memory_space<vmem>>
        %dma_wait3A_353 = arith.constant 0 : i32
        %dma_wait3A_354 = arith.constant 0 : i32
        %dma_wait3A_355 = tpu.memref_slice %arg3[%add3A_336, %dma_wait3A_353, %dma_wait3A_354] : memref<2560x2x128xi32, #tpu.memory_space<hbm>> -> memref<1x2x128xi32, #tpu.memory_space<hbm>>
        %dma_wait3A_356 = tpu.memref_squeeze %dma_wait3A_355 : memref<1x2x128xi32, #tpu.memory_space<hbm>> -> memref<2x128xi32, #tpu.memory_space<hbm>>
        tpu.wait_dma2 semaphore(%dma_wait3A_348 : memref<!tpu.dma_semaphore, #tpu.memory_space<semaphore_mem>>) src(%dma_wait3A_356 : memref<2x128xi32, #tpu.memory_space<hbm>>) dst(%dma_wait3A_352 : memref<2x128xi32, #tpu.memory_space<vmem>>)
        %dma_start3A_357 = arith.constant 3 : i32
        %dma_start3A_358 = arith.constant 0 : i32
        %dma_start3A_359 = arith.constant 1 : i32
        %dma_start3A_360 = arith.constant 1 : i32
        %dma_start3A_361 = arith.constant 0 : i32
        %dma_start3A_362 = arith.constant 0 : i32
        %dma_start3A_363 = tpu.memref_slice %arg7[%dma_start3A_359, %dma_start3A_361, %dma_start3A_362] : memref<2x128x128xf32, #tpu.memory_space<vmem>> -> memref<1x128x128xf32, #tpu.memory_space<vmem>>
        %dma_start3A_364 = tpu.memref_squeeze %dma_start3A_363 : memref<1x128x128xf32, #tpu.memory_space<vmem>> -> memref<128x128xf32, #tpu.memory_space<vmem>>
        %dma_start3A_365 = arith.constant 0 : i32
        %dma_start3A_366 = tpu.memref_slice %arg6[%dma_start3A_357, %dma_start3A_358, %dma_start3A_365] : memref<4x2x128xi32, #tpu.memory_space<vmem>> -> memref<1x1x128xi32, #tpu.memory_space<vmem>>
        %dma_start3A_367 = tpu.memref_squeeze %dma_start3A_366 : memref<1x1x128xi32, #tpu.memory_space<vmem>> -> memref<128xi32, #tpu.memory_space<vmem>>
        %dma_start3A_368 = arith.constant 0 : i32
        %dma_start3A_369 = arith.constant 0 : i32
        %dma_start3A_370 = tpu.memref_slice %arg2[%dma_start3A_368, %dma_start3A_369] : memref<10000x128xf32, #tpu.memory_space<hbm>> -> memref<10000x128xf32, #tpu.memory_space<hbm>>
        %dma_start3A_371 = tpu.memref_slice %arg10[%dma_start3A_360] : memref<2x!tpu.dma_semaphore, #tpu.memory_space<semaphore_mem>> -> memref<1x!tpu.dma_semaphore, #tpu.memory_space<semaphore_mem>>
        %dma_start3A_372 = tpu.memref_squeeze %dma_start3A_371 : memref<1x!tpu.dma_semaphore, #tpu.memory_space<semaphore_mem>> -> memref<!tpu.dma_semaphore, #tpu.memory_space<semaphore_mem>>
        tpu.enqueue_indirect_dma source(%dma_start3A_370 : memref<10000x128xf32, #tpu.memory_space<hbm>>) target(%dma_start3A_364 : memref<128x128xf32, #tpu.memory_space<vmem>>) offsets(%dma_start3A_367 : memref<128xi32, #tpu.memory_space<vmem>>) semaphore(%dma_start3A_372 : memref<!tpu.dma_semaphore, #tpu.memory_space<semaphore_mem>>)
      } else {
      }
      %add3A_270 = arith.constant 2 : i32
      %add3A_271 = arith.addi %mul3A_206, %add3A_270 : i32
      %dma_wait3A_272 = arith.constant 2 : i32
      %dma_wait3A_273 = arith.constant 0 : i32
      %dma_wait3A_274 = arith.constant 0 : i32
      %dma_wait3A_275 = arith.constant 0 : i32
      %dma_wait3A_276 = arith.constant 0 : i32
      %dma_wait3A_277 = arith.constant 0 : i32
      %dma_wait3A_278 = tpu.memref_slice %arg7[%dma_wait3A_274, %dma_wait3A_276, %dma_wait3A_277] : memref<2x128x128xf32, #tpu.memory_space<vmem>> -> memref<1x128x128xf32, #tpu.memory_space<vmem>>
      %dma_wait3A_279 = tpu.memref_squeeze %dma_wait3A_278 : memref<1x128x128xf32, #tpu.memory_space<vmem>> -> memref<128x128xf32, #tpu.memory_space<vmem>>
      %dma_wait3A_280 = arith.constant 0 : i32
      %dma_wait3A_281 = tpu.memref_slice %arg6[%dma_wait3A_272, %dma_wait3A_273, %dma_wait3A_280] : memref<4x2x128xi32, #tpu.memory_space<vmem>> -> memref<1x1x128xi32, #tpu.memory_space<vmem>>
      %dma_wait3A_282 = tpu.memref_squeeze %dma_wait3A_281 : memref<1x1x128xi32, #tpu.memory_space<vmem>> -> memref<128xi32, #tpu.memory_space<vmem>>
      %dma_wait3A_283 = arith.constant 0 : i32
      %dma_wait3A_284 = arith.constant 0 : i32
      %dma_wait3A_285 = tpu.memref_slice %arg2[%dma_wait3A_283, %dma_wait3A_284] : memref<10000x128xf32, #tpu.memory_space<hbm>> -> memref<10000x128xf32, #tpu.memory_space<hbm>>
      %dma_wait3A_286 = tpu.memref_slice %arg10[%dma_wait3A_275] : memref<2x!tpu.dma_semaphore, #tpu.memory_space<semaphore_mem>> -> memref<1x!tpu.dma_semaphore, #tpu.memory_space<semaphore_mem>>
      %dma_wait3A_287 = tpu.memref_squeeze %dma_wait3A_286 : memref<1x!tpu.dma_semaphore, #tpu.memory_space<semaphore_mem>> -> memref<!tpu.dma_semaphore, #tpu.memory_space<semaphore_mem>>
      tpu.wait_indirect_dma semaphore(%dma_wait3A_287 : memref<!tpu.dma_semaphore, #tpu.memory_space<semaphore_mem>>) src(%dma_wait3A_285 : memref<10000x128xf32, #tpu.memory_space<hbm>>) dst(%dma_wait3A_279 : memref<128x128xf32, #tpu.memory_space<vmem>>)
      %run_scoped3A_288 = arith.constant 0 : i32
      %run_scoped3A_289 = arith.constant 2 : i32
      %run_scoped3A_290 = arith.constant 1 : i32
      "tpu.region"() ({
        %run_scoped3A_336 = tpu.sem_alloc : memref<!tpu.dma_semaphore, #tpu.memory_space<semaphore_mem>>
        %dma_start3A_337 = arith.constant 0 : i32
        %dma_start3A_338 = arith.constant 0 : i32
        %dma_start3A_339 = tpu.memref_slice %arg7[%run_scoped3A_288, %dma_start3A_337, %dma_start3A_338] : memref<2x128x128xf32, #tpu.memory_space<vmem>> -> memref<1x128x128xf32, #tpu.memory_space<vmem>>
        %dma_start3A_340 = tpu.memref_squeeze %dma_start3A_339 : memref<1x128x128xf32, #tpu.memory_space<vmem>> -> memref<128x128xf32, #tpu.memory_space<vmem>>
        %dma_start3A_341 = arith.constant 0 : i32
        %dma_start3A_342 = tpu.memref_slice %arg6[%run_scoped3A_289, %run_scoped3A_290, %dma_start3A_341] : memref<4x2x128xi32, #tpu.memory_space<vmem>> -> memref<1x1x128xi32, #tpu.memory_space<vmem>>
        %dma_start3A_343 = tpu.memref_squeeze %dma_start3A_342 : memref<1x1x128xi32, #tpu.memory_space<vmem>> -> memref<128xi32, #tpu.memory_space<vmem>>
        %dma_start3A_344 = arith.constant 0 : i32
        %dma_start3A_345 = arith.constant 0 : i32
        %dma_start3A_346 = tpu.memref_slice %arg8[%dma_start3A_344, %dma_start3A_345] : memref<10240x128xf32, #tpu.memory_space<vmem_shared>> -> memref<10240x128xf32, #tpu.memory_space<vmem_shared>>
        tpu.enqueue_indirect_dma source(%dma_start3A_340 : memref<128x128xf32, #tpu.memory_space<vmem>>) target(%dma_start3A_346 : memref<10240x128xf32, #tpu.memory_space<vmem_shared>>) offsets(%dma_start3A_343 : memref<128xi32, #tpu.memory_space<vmem>>) semaphore(%run_scoped3A_336 : memref<!tpu.dma_semaphore, #tpu.memory_space<semaphore_mem>>) {add = true}
        %dma_wait3A_347 = arith.constant 0 : i32
        %dma_wait3A_348 = arith.constant 0 : i32
        %dma_wait3A_349 = tpu.memref_slice %arg7[%run_scoped3A_288, %dma_wait3A_347, %dma_wait3A_348] : memref<2x128x128xf32, #tpu.memory_space<vmem>> -> memref<1x128x128xf32, #tpu.memory_space<vmem>>
        %dma_wait3A_350 = tpu.memref_squeeze %dma_wait3A_349 : memref<1x128x128xf32, #tpu.memory_space<vmem>> -> memref<128x128xf32, #tpu.memory_space<vmem>>
        %dma_wait3A_351 = arith.constant 0 : i32
        %dma_wait3A_352 = tpu.memref_slice %arg6[%run_scoped3A_289, %run_scoped3A_290, %dma_wait3A_351] : memref<4x2x128xi32, #tpu.memory_space<vmem>> -> memref<1x1x128xi32, #tpu.memory_space<vmem>>
        %dma_wait3A_353 = tpu.memref_squeeze %dma_wait3A_352 : memref<1x1x128xi32, #tpu.memory_space<vmem>> -> memref<128xi32, #tpu.memory_space<vmem>>
        %dma_wait3A_354 = arith.constant 0 : i32
        %dma_wait3A_355 = arith.constant 0 : i32
        %dma_wait3A_356 = tpu.memref_slice %arg8[%dma_wait3A_354, %dma_wait3A_355] : memref<10240x128xf32, #tpu.memory_space<vmem_shared>> -> memref<10240x128xf32, #tpu.memory_space<vmem_shared>>
        tpu.wait_indirect_dma semaphore(%run_scoped3A_336 : memref<!tpu.dma_semaphore, #tpu.memory_space<semaphore_mem>>) src(%dma_wait3A_350 : memref<128x128xf32, #tpu.memory_space<vmem>>) dst(%dma_wait3A_356 : memref<10240x128xf32, #tpu.memory_space<vmem_shared>>)
        tpu.yield
      }) : () -> ()
      %add3A_291 = arith.constant 4 : i32
      %add3A_292 = arith.addi %add3A_271, %add3A_291 : i32
      %lt3A_293 = arith.cmpi slt, %add3A_292, %select_n3A : i32
      %convert_element_type3A_294 = arith.extui %lt3A_293 : i1 to i32
      %cond3A_295 = arith.constant 0 : i32
      %cond3A_296 = arith.cmpi ne, %convert_element_type3A_294, %cond3A_295 : i32
      scf.if %cond3A_296 {
        %add3A_336 = arith.addi %add3A, %add3A_292 : i32
        %dma_start3A_337 = arith.constant 2 : i32
        %dma_start3A_338 = arith.constant 2 : i32
        %dma_start3A_339 = arith.constant 0 : i32
        %dma_start3A_340 = arith.constant 0 : i32
        %dma_start3A_341 = tpu.memref_slice %arg6[%dma_start3A_337, %dma_start3A_339, %dma_start3A_340] : memref<4x2x128xi32, #tpu.memory_space<vmem>> -> memref<1x2x128xi32, #tpu.memory_space<vmem>>
        %dma_start3A_342 = tpu.memref_squeeze %dma_start3A_341 : memref<1x2x128xi32, #tpu.memory_space<vmem>> -> memref<2x128xi32, #tpu.memory_space<vmem>>
        %dma_start3A_343 = arith.constant 0 : i32
        %dma_start3A_344 = arith.constant 0 : i32
        %dma_start3A_345 = tpu.memref_slice %arg3[%add3A_336, %dma_start3A_343, %dma_start3A_344] : memref<2560x2x128xi32, #tpu.memory_space<hbm>> -> memref<1x2x128xi32, #tpu.memory_space<hbm>>
        %dma_start3A_346 = tpu.memref_squeeze %dma_start3A_345 : memref<1x2x128xi32, #tpu.memory_space<hbm>> -> memref<2x128xi32, #tpu.memory_space<hbm>>
        %dma_start3A_347 = tpu.memref_slice %arg9[%dma_start3A_338] : memref<4x!tpu.dma_semaphore, #tpu.memory_space<semaphore_mem>> -> memref<1x!tpu.dma_semaphore, #tpu.memory_space<semaphore_mem>>
        %dma_start3A_348 = tpu.memref_squeeze %dma_start3A_347 : memref<1x!tpu.dma_semaphore, #tpu.memory_space<semaphore_mem>> -> memref<!tpu.dma_semaphore, #tpu.memory_space<semaphore_mem>>
        %dma_start3A_349 = arith.constant 0 : i32
        %dma_start3A_350 = arith.constant 0 : i32
        %dma_start3A_351 = tpu.memref_slice %arg6[%dma_start3A_337, %dma_start3A_349, %dma_start3A_350] : memref<4x2x128xi32, #tpu.memory_space<vmem>> -> memref<1x2x128xi32, #tpu.memory_space<vmem>>
        %dma_start3A_352 = tpu.memref_squeeze %dma_start3A_351 : memref<1x2x128xi32, #tpu.memory_space<vmem>> -> memref<2x128xi32, #tpu.memory_space<vmem>>
        %dma_start3A_353 = arith.constant 0 : i32
        %dma_start3A_354 = arith.constant 0 : i32
        %dma_start3A_355 = tpu.memref_slice %arg3[%add3A_336, %dma_start3A_353, %dma_start3A_354] : memref<2560x2x128xi32, #tpu.memory_space<hbm>> -> memref<1x2x128xi32, #tpu.memory_space<hbm>>
        %dma_start3A_356 = tpu.memref_squeeze %dma_start3A_355 : memref<1x2x128xi32, #tpu.memory_space<hbm>> -> memref<2x128xi32, #tpu.memory_space<hbm>>
        tpu.enqueue_dma source(%dma_start3A_356 : memref<2x128xi32, #tpu.memory_space<hbm>>) target(%dma_start3A_352 : memref<2x128xi32, #tpu.memory_space<vmem>>) target_semaphore(%dma_start3A_348 : memref<!tpu.dma_semaphore, #tpu.memory_space<semaphore_mem>>)
      } else {
      }
      %add3A_297 = arith.constant 2 : i32
      %add3A_298 = arith.addi %add3A_271, %add3A_297 : i32
      %lt3A_299 = arith.cmpi slt, %add3A_298, %select_n3A : i32
      %convert_element_type3A_300 = arith.extui %lt3A_299 : i1 to i32
      %cond3A_301 = arith.constant 0 : i32
      %cond3A_302 = arith.cmpi ne, %convert_element_type3A_300, %cond3A_301 : i32
      scf.if %cond3A_302 {
        %add3A_336 = arith.addi %add3A, %add3A_298 : i32
        %dma_wait3A_337 = arith.constant 0 : i32
        %dma_wait3A_338 = arith.constant 0 : i32
        %dma_wait3A_339 = arith.constant 0 : i32
        %dma_wait3A_340 = arith.constant 0 : i32
        %dma_wait3A_341 = tpu.memref_slice %arg6[%dma_wait3A_337, %dma_wait3A_339, %dma_wait3A_340] : memref<4x2x128xi32, #tpu.memory_space<vmem>> -> memref<1x2x128xi32, #tpu.memory_space<vmem>>
        %dma_wait3A_342 = tpu.memref_squeeze %dma_wait3A_341 : memref<1x2x128xi32, #tpu.memory_space<vmem>> -> memref<2x128xi32, #tpu.memory_space<vmem>>
        %dma_wait3A_343 = arith.constant 0 : i32
        %dma_wait3A_344 = arith.constant 0 : i32
        %dma_wait3A_345 = tpu.memref_slice %arg3[%add3A_336, %dma_wait3A_343, %dma_wait3A_344] : memref<2560x2x128xi32, #tpu.memory_space<hbm>> -> memref<1x2x128xi32, #tpu.memory_space<hbm>>
        %dma_wait3A_346 = tpu.memref_squeeze %dma_wait3A_345 : memref<1x2x128xi32, #tpu.memory_space<hbm>> -> memref<2x128xi32, #tpu.memory_space<hbm>>
        %dma_wait3A_347 = tpu.memref_slice %arg9[%dma_wait3A_338] : memref<4x!tpu.dma_semaphore, #tpu.memory_space<semaphore_mem>> -> memref<1x!tpu.dma_semaphore, #tpu.memory_space<semaphore_mem>>
        %dma_wait3A_348 = tpu.memref_squeeze %dma_wait3A_347 : memref<1x!tpu.dma_semaphore, #tpu.memory_space<semaphore_mem>> -> memref<!tpu.dma_semaphore, #tpu.memory_space<semaphore_mem>>
        %dma_wait3A_349 = arith.constant 0 : i32
        %dma_wait3A_350 = arith.constant 0 : i32
        %dma_wait3A_351 = tpu.memref_slice %arg6[%dma_wait3A_337, %dma_wait3A_349, %dma_wait3A_350] : memref<4x2x128xi32, #tpu.memory_space<vmem>> -> memref<1x2x128xi32, #tpu.memory_space<vmem>>
        %dma_wait3A_352 = tpu.memref_squeeze %dma_wait3A_351 : memref<1x2x128xi32, #tpu.memory_space<vmem>> -> memref<2x128xi32, #tpu.memory_space<vmem>>
        %dma_wait3A_353 = arith.constant 0 : i32
        %dma_wait3A_354 = arith.constant 0 : i32
        %dma_wait3A_355 = tpu.memref_slice %arg3[%add3A_336, %dma_wait3A_353, %dma_wait3A_354] : memref<2560x2x128xi32, #tpu.memory_space<hbm>> -> memref<1x2x128xi32, #tpu.memory_space<hbm>>
        %dma_wait3A_356 = tpu.memref_squeeze %dma_wait3A_355 : memref<1x2x128xi32, #tpu.memory_space<hbm>> -> memref<2x128xi32, #tpu.memory_space<hbm>>
        tpu.wait_dma2 semaphore(%dma_wait3A_348 : memref<!tpu.dma_semaphore, #tpu.memory_space<semaphore_mem>>) src(%dma_wait3A_356 : memref<2x128xi32, #tpu.memory_space<hbm>>) dst(%dma_wait3A_352 : memref<2x128xi32, #tpu.memory_space<vmem>>)
        %dma_start3A_357 = arith.constant 0 : i32
        %dma_start3A_358 = arith.constant 0 : i32
        %dma_start3A_359 = arith.constant 0 : i32
        %dma_start3A_360 = arith.constant 0 : i32
        %dma_start3A_361 = arith.constant 0 : i32
        %dma_start3A_362 = arith.constant 0 : i32
        %dma_start3A_363 = tpu.memref_slice %arg7[%dma_start3A_359, %dma_start3A_361, %dma_start3A_362] : memref<2x128x128xf32, #tpu.memory_space<vmem>> -> memref<1x128x128xf32, #tpu.memory_space<vmem>>
        %dma_start3A_364 = tpu.memref_squeeze %dma_start3A_363 : memref<1x128x128xf32, #tpu.memory_space<vmem>> -> memref<128x128xf32, #tpu.memory_space<vmem>>
        %dma_start3A_365 = arith.constant 0 : i32
        %dma_start3A_366 = tpu.memref_slice %arg6[%dma_start3A_357, %dma_start3A_358, %dma_start3A_365] : memref<4x2x128xi32, #tpu.memory_space<vmem>> -> memref<1x1x128xi32, #tpu.memory_space<vmem>>
        %dma_start3A_367 = tpu.memref_squeeze %dma_start3A_366 : memref<1x1x128xi32, #tpu.memory_space<vmem>> -> memref<128xi32, #tpu.memory_space<vmem>>
        %dma_start3A_368 = arith.constant 0 : i32
        %dma_start3A_369 = arith.constant 0 : i32
        %dma_start3A_370 = tpu.memref_slice %arg2[%dma_start3A_368, %dma_start3A_369] : memref<10000x128xf32, #tpu.memory_space<hbm>> -> memref<10000x128xf32, #tpu.memory_space<hbm>>
        %dma_start3A_371 = tpu.memref_slice %arg10[%dma_start3A_360] : memref<2x!tpu.dma_semaphore, #tpu.memory_space<semaphore_mem>> -> memref<1x!tpu.dma_semaphore, #tpu.memory_space<semaphore_mem>>
        %dma_start3A_372 = tpu.memref_squeeze %dma_start3A_371 : memref<1x!tpu.dma_semaphore, #tpu.memory_space<semaphore_mem>> -> memref<!tpu.dma_semaphore, #tpu.memory_space<semaphore_mem>>
        tpu.enqueue_indirect_dma source(%dma_start3A_370 : memref<10000x128xf32, #tpu.memory_space<hbm>>) target(%dma_start3A_364 : memref<128x128xf32, #tpu.memory_space<vmem>>) offsets(%dma_start3A_367 : memref<128xi32, #tpu.memory_space<vmem>>) semaphore(%dma_start3A_372 : memref<!tpu.dma_semaphore, #tpu.memory_space<semaphore_mem>>)
      } else {
      }
      %add3A_303 = arith.constant 3 : i32
      %add3A_304 = arith.addi %mul3A_206, %add3A_303 : i32
      %dma_wait3A_305 = arith.constant 3 : i32
      %dma_wait3A_306 = arith.constant 0 : i32
      %dma_wait3A_307 = arith.constant 1 : i32
      %dma_wait3A_308 = arith.constant 1 : i32
      %dma_wait3A_309 = arith.constant 0 : i32
      %dma_wait3A_310 = arith.constant 0 : i32
      %dma_wait3A_311 = tpu.memref_slice %arg7[%dma_wait3A_307, %dma_wait3A_309, %dma_wait3A_310] : memref<2x128x128xf32, #tpu.memory_space<vmem>> -> memref<1x128x128xf32, #tpu.memory_space<vmem>>
      %dma_wait3A_312 = tpu.memref_squeeze %dma_wait3A_311 : memref<1x128x128xf32, #tpu.memory_space<vmem>> -> memref<128x128xf32, #tpu.memory_space<vmem>>
      %dma_wait3A_313 = arith.constant 0 : i32
      %dma_wait3A_314 = tpu.memref_slice %arg6[%dma_wait3A_305, %dma_wait3A_306, %dma_wait3A_313] : memref<4x2x128xi32, #tpu.memory_space<vmem>> -> memref<1x1x128xi32, #tpu.memory_space<vmem>>
      %dma_wait3A_315 = tpu.memref_squeeze %dma_wait3A_314 : memref<1x1x128xi32, #tpu.memory_space<vmem>> -> memref<128xi32, #tpu.memory_space<vmem>>
      %dma_wait3A_316 = arith.constant 0 : i32
      %dma_wait3A_317 = arith.constant 0 : i32
      %dma_wait3A_318 = tpu.memref_slice %arg2[%dma_wait3A_316, %dma_wait3A_317] : memref<10000x128xf32, #tpu.memory_space<hbm>> -> memref<10000x128xf32, #tpu.memory_space<hbm>>
      %dma_wait3A_319 = tpu.memref_slice %arg10[%dma_wait3A_308] : memref<2x!tpu.dma_semaphore, #tpu.memory_space<semaphore_mem>> -> memref<1x!tpu.dma_semaphore, #tpu.memory_space<semaphore_mem>>
      %dma_wait3A_320 = tpu.memref_squeeze %dma_wait3A_319 : memref<1x!tpu.dma_semaphore, #tpu.memory_space<semaphore_mem>> -> memref<!tpu.dma_semaphore, #tpu.memory_space<semaphore_mem>>
      tpu.wait_indirect_dma semaphore(%dma_wait3A_320 : memref<!tpu.dma_semaphore, #tpu.memory_space<semaphore_mem>>) src(%dma_wait3A_318 : memref<10000x128xf32, #tpu.memory_space<hbm>>) dst(%dma_wait3A_312 : memref<128x128xf32, #tpu.memory_space<vmem>>)
      %run_scoped3A_321 = arith.constant 1 : i32
      %run_scoped3A_322 = arith.constant 3 : i32
      %run_scoped3A_323 = arith.constant 1 : i32
      "tpu.region"() ({
        %run_scoped3A_336 = tpu.sem_alloc : memref<!tpu.dma_semaphore, #tpu.memory_space<semaphore_mem>>
        %dma_start3A_337 = arith.constant 0 : i32
        %dma_start3A_338 = arith.constant 0 : i32
        %dma_start3A_339 = tpu.memref_slice %arg7[%run_scoped3A_321, %dma_start3A_337, %dma_start3A_338] : memref<2x128x128xf32, #tpu.memory_space<vmem>> -> memref<1x128x128xf32, #tpu.memory_space<vmem>>
        %dma_start3A_340 = tpu.memref_squeeze %dma_start3A_339 : memref<1x128x128xf32, #tpu.memory_space<vmem>> -> memref<128x128xf32, #tpu.memory_space<vmem>>
        %dma_start3A_341 = arith.constant 0 : i32
        %dma_start3A_342 = tpu.memref_slice %arg6[%run_scoped3A_322, %run_scoped3A_323, %dma_start3A_341] : memref<4x2x128xi32, #tpu.memory_space<vmem>> -> memref<1x1x128xi32, #tpu.memory_space<vmem>>
        %dma_start3A_343 = tpu.memref_squeeze %dma_start3A_342 : memref<1x1x128xi32, #tpu.memory_space<vmem>> -> memref<128xi32, #tpu.memory_space<vmem>>
        %dma_start3A_344 = arith.constant 0 : i32
        %dma_start3A_345 = arith.constant 0 : i32
        %dma_start3A_346 = tpu.memref_slice %arg8[%dma_start3A_344, %dma_start3A_345] : memref<10240x128xf32, #tpu.memory_space<vmem_shared>> -> memref<10240x128xf32, #tpu.memory_space<vmem_shared>>
        tpu.enqueue_indirect_dma source(%dma_start3A_340 : memref<128x128xf32, #tpu.memory_space<vmem>>) target(%dma_start3A_346 : memref<10240x128xf32, #tpu.memory_space<vmem_shared>>) offsets(%dma_start3A_343 : memref<128xi32, #tpu.memory_space<vmem>>) semaphore(%run_scoped3A_336 : memref<!tpu.dma_semaphore, #tpu.memory_space<semaphore_mem>>) {add = true}
        %dma_wait3A_347 = arith.constant 0 : i32
        %dma_wait3A_348 = arith.constant 0 : i32
        %dma_wait3A_349 = tpu.memref_slice %arg7[%run_scoped3A_321, %dma_wait3A_347, %dma_wait3A_348] : memref<2x128x128xf32, #tpu.memory_space<vmem>> -> memref<1x128x128xf32, #tpu.memory_space<vmem>>
        %dma_wait3A_350 = tpu.memref_squeeze %dma_wait3A_349 : memref<1x128x128xf32, #tpu.memory_space<vmem>> -> memref<128x128xf32, #tpu.memory_space<vmem>>
        %dma_wait3A_351 = arith.constant 0 : i32
        %dma_wait3A_352 = tpu.memref_slice %arg6[%run_scoped3A_322, %run_scoped3A_323, %dma_wait3A_351] : memref<4x2x128xi32, #tpu.memory_space<vmem>> -> memref<1x1x128xi32, #tpu.memory_space<vmem>>
        %dma_wait3A_353 = tpu.memref_squeeze %dma_wait3A_352 : memref<1x1x128xi32, #tpu.memory_space<vmem>> -> memref<128xi32, #tpu.memory_space<vmem>>
        %dma_wait3A_354 = arith.constant 0 : i32
        %dma_wait3A_355 = arith.constant 0 : i32
        %dma_wait3A_356 = tpu.memref_slice %arg8[%dma_wait3A_354, %dma_wait3A_355] : memref<10240x128xf32, #tpu.memory_space<vmem_shared>> -> memref<10240x128xf32, #tpu.memory_space<vmem_shared>>
        tpu.wait_indirect_dma semaphore(%run_scoped3A_336 : memref<!tpu.dma_semaphore, #tpu.memory_space<semaphore_mem>>) src(%dma_wait3A_350 : memref<128x128xf32, #tpu.memory_space<vmem>>) dst(%dma_wait3A_356 : memref<10240x128xf32, #tpu.memory_space<vmem_shared>>)
        tpu.yield
      }) : () -> ()
      %add3A_324 = arith.constant 4 : i32
      %add3A_325 = arith.addi %add3A_304, %add3A_324 : i32
      %lt3A_326 = arith.cmpi slt, %add3A_325, %select_n3A : i32
      %convert_element_type3A_327 = arith.extui %lt3A_326 : i1 to i32
      %cond3A_328 = arith.constant 0 : i32
      %cond3A_329 = arith.cmpi ne, %convert_element_type3A_327, %cond3A_328 : i32
      scf.if %cond3A_329 {
        %add3A_336 = arith.addi %add3A, %add3A_325 : i32
        %dma_start3A_337 = arith.constant 3 : i32
        %dma_start3A_338 = arith.constant 3 : i32
        %dma_start3A_339 = arith.constant 0 : i32
        %dma_start3A_340 = arith.constant 0 : i32
        %dma_start3A_341 = tpu.memref_slice %arg6[%dma_start3A_337, %dma_start3A_339, %dma_start3A_340] : memref<4x2x128xi32, #tpu.memory_space<vmem>> -> memref<1x2x128xi32, #tpu.memory_space<vmem>>
        %dma_start3A_342 = tpu.memref_squeeze %dma_start3A_341 : memref<1x2x128xi32, #tpu.memory_space<vmem>> -> memref<2x128xi32, #tpu.memory_space<vmem>>
        %dma_start3A_343 = arith.constant 0 : i32
        %dma_start3A_344 = arith.constant 0 : i32
        %dma_start3A_345 = tpu.memref_slice %arg3[%add3A_336, %dma_start3A_343, %dma_start3A_344] : memref<2560x2x128xi32, #tpu.memory_space<hbm>> -> memref<1x2x128xi32, #tpu.memory_space<hbm>>
        %dma_start3A_346 = tpu.memref_squeeze %dma_start3A_345 : memref<1x2x128xi32, #tpu.memory_space<hbm>> -> memref<2x128xi32, #tpu.memory_space<hbm>>
        %dma_start3A_347 = tpu.memref_slice %arg9[%dma_start3A_338] : memref<4x!tpu.dma_semaphore, #tpu.memory_space<semaphore_mem>> -> memref<1x!tpu.dma_semaphore, #tpu.memory_space<semaphore_mem>>
        %dma_start3A_348 = tpu.memref_squeeze %dma_start3A_347 : memref<1x!tpu.dma_semaphore, #tpu.memory_space<semaphore_mem>> -> memref<!tpu.dma_semaphore, #tpu.memory_space<semaphore_mem>>
        %dma_start3A_349 = arith.constant 0 : i32
        %dma_start3A_350 = arith.constant 0 : i32
        %dma_start3A_351 = tpu.memref_slice %arg6[%dma_start3A_337, %dma_start3A_349, %dma_start3A_350] : memref<4x2x128xi32, #tpu.memory_space<vmem>> -> memref<1x2x128xi32, #tpu.memory_space<vmem>>
        %dma_start3A_352 = tpu.memref_squeeze %dma_start3A_351 : memref<1x2x128xi32, #tpu.memory_space<vmem>> -> memref<2x128xi32, #tpu.memory_space<vmem>>
        %dma_start3A_353 = arith.constant 0 : i32
        %dma_start3A_354 = arith.constant 0 : i32
        %dma_start3A_355 = tpu.memref_slice %arg3[%add3A_336, %dma_start3A_353, %dma_start3A_354] : memref<2560x2x128xi32, #tpu.memory_space<hbm>> -> memref<1x2x128xi32, #tpu.memory_space<hbm>>
        %dma_start3A_356 = tpu.memref_squeeze %dma_start3A_355 : memref<1x2x128xi32, #tpu.memory_space<hbm>> -> memref<2x128xi32, #tpu.memory_space<hbm>>
        tpu.enqueue_dma source(%dma_start3A_356 : memref<2x128xi32, #tpu.memory_space<hbm>>) target(%dma_start3A_352 : memref<2x128xi32, #tpu.memory_space<vmem>>) target_semaphore(%dma_start3A_348 : memref<!tpu.dma_semaphore, #tpu.memory_space<semaphore_mem>>)
      } else {
      }
      %add3A_330 = arith.constant 2 : i32
      %add3A_331 = arith.addi %add3A_304, %add3A_330 : i32
      %lt3A_332 = arith.cmpi slt, %add3A_331, %select_n3A : i32
      %convert_element_type3A_333 = arith.extui %lt3A_332 : i1 to i32
      %cond3A_334 = arith.constant 0 : i32
      %cond3A_335 = arith.cmpi ne, %convert_element_type3A_333, %cond3A_334 : i32
      scf.if %cond3A_335 {
        %add3A_336 = arith.addi %add3A, %add3A_331 : i32
        %dma_wait3A_337 = arith.constant 1 : i32
        %dma_wait3A_338 = arith.constant 1 : i32
        %dma_wait3A_339 = arith.constant 0 : i32
        %dma_wait3A_340 = arith.constant 0 : i32
        %dma_wait3A_341 = tpu.memref_slice %arg6[%dma_wait3A_337, %dma_wait3A_339, %dma_wait3A_340] : memref<4x2x128xi32, #tpu.memory_space<vmem>> -> memref<1x2x128xi32, #tpu.memory_space<vmem>>
        %dma_wait3A_342 = tpu.memref_squeeze %dma_wait3A_341 : memref<1x2x128xi32, #tpu.memory_space<vmem>> -> memref<2x128xi32, #tpu.memory_space<vmem>>
        %dma_wait3A_343 = arith.constant 0 : i32
        %dma_wait3A_344 = arith.constant 0 : i32
        %dma_wait3A_345 = tpu.memref_slice %arg3[%add3A_336, %dma_wait3A_343, %dma_wait3A_344] : memref<2560x2x128xi32, #tpu.memory_space<hbm>> -> memref<1x2x128xi32, #tpu.memory_space<hbm>>
        %dma_wait3A_346 = tpu.memref_squeeze %dma_wait3A_345 : memref<1x2x128xi32, #tpu.memory_space<hbm>> -> memref<2x128xi32, #tpu.memory_space<hbm>>
        %dma_wait3A_347 = tpu.memref_slice %arg9[%dma_wait3A_338] : memref<4x!tpu.dma_semaphore, #tpu.memory_space<semaphore_mem>> -> memref<1x!tpu.dma_semaphore, #tpu.memory_space<semaphore_mem>>
        %dma_wait3A_348 = tpu.memref_squeeze %dma_wait3A_347 : memref<1x!tpu.dma_semaphore, #tpu.memory_space<semaphore_mem>> -> memref<!tpu.dma_semaphore, #tpu.memory_space<semaphore_mem>>
        %dma_wait3A_349 = arith.constant 0 : i32
        %dma_wait3A_350 = arith.constant 0 : i32
        %dma_wait3A_351 = tpu.memref_slice %arg6[%dma_wait3A_337, %dma_wait3A_349, %dma_wait3A_350] : memref<4x2x128xi32, #tpu.memory_space<vmem>> -> memref<1x2x128xi32, #tpu.memory_space<vmem>>
        %dma_wait3A_352 = tpu.memref_squeeze %dma_wait3A_351 : memref<1x2x128xi32, #tpu.memory_space<vmem>> -> memref<2x128xi32, #tpu.memory_space<vmem>>
        %dma_wait3A_353 = arith.constant 0 : i32
        %dma_wait3A_354 = arith.constant 0 : i32
        %dma_wait3A_355 = tpu.memref_slice %arg3[%add3A_336, %dma_wait3A_353, %dma_wait3A_354] : memref<2560x2x128xi32, #tpu.memory_space<hbm>> -> memref<1x2x128xi32, #tpu.memory_space<hbm>>
        %dma_wait3A_356 = tpu.memref_squeeze %dma_wait3A_355 : memref<1x2x128xi32, #tpu.memory_space<hbm>> -> memref<2x128xi32, #tpu.memory_space<hbm>>
        tpu.wait_dma2 semaphore(%dma_wait3A_348 : memref<!tpu.dma_semaphore, #tpu.memory_space<semaphore_mem>>) src(%dma_wait3A_356 : memref<2x128xi32, #tpu.memory_space<hbm>>) dst(%dma_wait3A_352 : memref<2x128xi32, #tpu.memory_space<vmem>>)
        %dma_start3A_357 = arith.constant 1 : i32
        %dma_start3A_358 = arith.constant 0 : i32
        %dma_start3A_359 = arith.constant 1 : i32
        %dma_start3A_360 = arith.constant 1 : i32
        %dma_start3A_361 = arith.constant 0 : i32
        %dma_start3A_362 = arith.constant 0 : i32
        %dma_start3A_363 = tpu.memref_slice %arg7[%dma_start3A_359, %dma_start3A_361, %dma_start3A_362] : memref<2x128x128xf32, #tpu.memory_space<vmem>> -> memref<1x128x128xf32, #tpu.memory_space<vmem>>
        %dma_start3A_364 = tpu.memref_squeeze %dma_start3A_363 : memref<1x128x128xf32, #tpu.memory_space<vmem>> -> memref<128x128xf32, #tpu.memory_space<vmem>>
        %dma_start3A_365 = arith.constant 0 : i32
        %dma_start3A_366 = tpu.memref_slice %arg6[%dma_start3A_357, %dma_start3A_358, %dma_start3A_365] : memref<4x2x128xi32, #tpu.memory_space<vmem>> -> memref<1x1x128xi32, #tpu.memory_space<vmem>>
        %dma_start3A_367 = tpu.memref_squeeze %dma_start3A_366 : memref<1x1x128xi32, #tpu.memory_space<vmem>> -> memref<128xi32, #tpu.memory_space<vmem>>
        %dma_start3A_368 = arith.constant 0 : i32
        %dma_start3A_369 = arith.constant 0 : i32
        %dma_start3A_370 = tpu.memref_slice %arg2[%dma_start3A_368, %dma_start3A_369] : memref<10000x128xf32, #tpu.memory_space<hbm>> -> memref<10000x128xf32, #tpu.memory_space<hbm>>
        %dma_start3A_371 = tpu.memref_slice %arg10[%dma_start3A_360] : memref<2x!tpu.dma_semaphore, #tpu.memory_space<semaphore_mem>> -> memref<1x!tpu.dma_semaphore, #tpu.memory_space<semaphore_mem>>
        %dma_start3A_372 = tpu.memref_squeeze %dma_start3A_371 : memref<1x!tpu.dma_semaphore, #tpu.memory_space<semaphore_mem>> -> memref<!tpu.dma_semaphore, #tpu.memory_space<semaphore_mem>>
        tpu.enqueue_indirect_dma source(%dma_start3A_370 : memref<10000x128xf32, #tpu.memory_space<hbm>>) target(%dma_start3A_364 : memref<128x128xf32, #tpu.memory_space<vmem>>) offsets(%dma_start3A_367 : memref<128xi32, #tpu.memory_space<vmem>>) semaphore(%dma_start3A_372 : memref<!tpu.dma_semaphore, #tpu.memory_space<semaphore_mem>>)
      } else {
      }
    }
    %barrier3A_199 = arith.constant 0 : index
    tpu.barrier barrier_id(%barrier3A_199)
    %mul3A_200 = arith.constant 632 : i32
    %mul3A_201 = arith.muli %arg1, %mul3A_200 : i32
    %mul3A_202 = arith.constant 632 : i32
    %mul3A_203 = arith.muli %arg1, %mul3A_202 : i32
    "tpu.region"() ({
      %run_scoped3A_204 = tpu.sem_alloc : memref<!tpu.dma_semaphore, #tpu.memory_space<semaphore_mem>>
      %dma_start3A_205 = arith.constant 0 : i32
      %dma_start3A_206 = tpu.memref_slice %arg5[%arg0, %mul3A_203, %dma_start3A_205] : memref<2x10112x128xf32, #tpu.memory_space<hbm>> -> memref<1x632x128xf32, #tpu.memory_space<hbm>>
      %dma_start3A_207 = tpu.memref_squeeze %dma_start3A_206 : memref<1x632x128xf32, #tpu.memory_space<hbm>> -> memref<632x128xf32, #tpu.memory_space<hbm>>
      %dma_start3A_208 = arith.constant 0 : i32
      %dma_start3A_209 = tpu.memref_slice %arg8[%mul3A_201, %dma_start3A_208] : memref<10240x128xf32, #tpu.memory_space<vmem_shared>> -> memref<632x128xf32, #tpu.memory_space<vmem_shared>>
      tpu.enqueue_dma source(%dma_start3A_209 : memref<632x128xf32, #tpu.memory_space<vmem_shared>>) target(%dma_start3A_207 : memref<632x128xf32, #tpu.memory_space<hbm>>) target_semaphore(%run_scoped3A_204 : memref<!tpu.dma_semaphore, #tpu.memory_space<semaphore_mem>>)
      %dma_wait3A_210 = arith.constant 0 : i32
      %dma_wait3A_211 = tpu.memref_slice %arg5[%arg0, %mul3A_203, %dma_wait3A_210] : memref<2x10112x128xf32, #tpu.memory_space<hbm>> -> memref<1x632x128xf32, #tpu.memory_space<hbm>>
      %dma_wait3A_212 = tpu.memref_squeeze %dma_wait3A_211 : memref<1x632x128xf32, #tpu.memory_space<hbm>> -> memref<632x128xf32, #tpu.memory_space<hbm>>
      %dma_wait3A_213 = arith.constant 0 : i32
      %dma_wait3A_214 = tpu.memref_slice %arg8[%mul3A_201, %dma_wait3A_213] : memref<10240x128xf32, #tpu.memory_space<vmem_shared>> -> memref<632x128xf32, #tpu.memory_space<vmem_shared>>
      tpu.wait_dma2 semaphore(%run_scoped3A_204 : memref<!tpu.dma_semaphore, #tpu.memory_space<semaphore_mem>>) src(%dma_wait3A_214 : memref<632x128xf32, #tpu.memory_space<vmem_shared>>) dst(%dma_wait3A_212 : memref<632x128xf32, #tpu.memory_space<hbm>>)
      tpu.yield
    }) : () -> ()
    return
  }
}

module attributes {stable_mosaic.version = 14 : i64} {
  func.func @_tc_body(%arg0: i32, %arg1: memref<1x1xf32, #tpu.memory_space<smem>>, %arg2: memref<1000x128xf32, #tpu.memory_space<vmem>>, %arg3: memref<2x1000x128xf32, #tpu.memory_space<vmem>>, %arg4: memref<1000x16xf32, #tpu.memory_space<vmem>>, %arg5: memref<128x128xf32, #tpu.memory_space<vmem>>, %arg6: memref<1x128xf32, #tpu.memory_space<vmem>>, %arg7: memref<128x128xf32, #tpu.memory_space<vmem>>, %arg8: memref<1x128xf32, #tpu.memory_space<vmem>>, %arg9: memref<128x128xf32, #tpu.memory_space<vmem>>, %arg10: memref<1x128xf32, #tpu.memory_space<vmem>>, %arg11: memref<1x128xf32, #tpu.memory_space<vmem>>, %arg12: memref<1x128xf32, #tpu.memory_space<vmem>>, %arg13: memref<1000x128xf32, #tpu.memory_space<vmem>>, %arg14: memref<10000x128xf32, #tpu.memory_space<vmem>>, %arg15: memref<16x128xf32, #tpu.memory_space<vmem>>, %arg16: memref<16x128xf32, #tpu.memory_space<vmem>>) attributes {dimension_semantics = [#tpu.dimension_semantics<arbitrary>], iteration_bounds = array<i64: 21>, scalar_prefetch = 0 : i64, scratch_operands = 3 : i64, tpu.core_type = #tpu.core_type<tc>, window_params = [{transform_indices = @transform_0, window_bounds = array<i64: 1, 1>}, {transform_indices = @transform_1, window_bounds = array<i64: 1000, 128>}, {transform_indices = @transform_2, window_bounds = array<i64: 2, 1000, 128>}, {transform_indices = @transform_3, window_bounds = array<i64: 1000, 16>}, {pipeline_mode = #tpu.pipeline_mode<synchronous>, transform_indices = @transform_4, window_bounds = array<i64: 128, 128>}, {pipeline_mode = #tpu.pipeline_mode<synchronous>, transform_indices = @transform_5, window_bounds = array<i64: 1, 128>}, {pipeline_mode = #tpu.pipeline_mode<synchronous>, transform_indices = @transform_6, window_bounds = array<i64: 128, 128>}, {pipeline_mode = #tpu.pipeline_mode<synchronous>, transform_indices = @transform_7, window_bounds = array<i64: 1, 128>}, {pipeline_mode = #tpu.pipeline_mode<synchronous>, transform_indices = @transform_8, window_bounds = array<i64: 128, 128>}, {pipeline_mode = #tpu.pipeline_mode<synchronous>, transform_indices = @transform_9, window_bounds = array<i64: 1, 128>}, {pipeline_mode = #tpu.pipeline_mode<synchronous>, transform_indices = @transform_10, window_bounds = array<i64: 1, 128>}, {pipeline_mode = #tpu.pipeline_mode<synchronous>, transform_indices = @transform_11, window_bounds = array<i64: 1, 128>}, {transform_indices = @transform_12, window_bounds = array<i64: 1000, 128>}]} {
    %lt3A = arith.constant 10 : i32
    %lt3A_0 = arith.cmpi slt, %arg0, %lt3A : i32
    %convert_element_type3A = arith.extui %lt3A_0 : i1 to i32
    %cond3A = arith.constant 0 : i32
    %cond3A_1 = arith.cmpi ne, %convert_element_type3A, %cond3A : i32
    scf.if %cond3A_1 {
      %get3A = arith.constant 0 : index
      %get3A_10 = arith.constant 0 : index
      %get3A_11 = vector.load %arg2[%get3A, %get3A_10] : memref<1000x128xf32, #tpu.memory_space<vmem>>, vector<1000x128xf32>
      %get3A_12 = arith.constant 0 : index
      %get3A_13 = arith.constant 0 : index
      %get3A_14 = arith.constant 0 : index
      %get3A_15 = vector.load %arg3[%get3A_12, %get3A_13, %get3A_14] : memref<2x1000x128xf32, #tpu.memory_space<vmem>>, vector<1x1000x128xf32>
      %get3A_16 = vector.shape_cast %get3A_15 : vector<1x1000x128xf32> to vector<1000x128xf32>
      %get3A_17 = arith.constant 1 : index
      %get3A_18 = arith.constant 0 : index
      %get3A_19 = arith.constant 0 : index
      %get3A_20 = vector.load %arg3[%get3A_17, %get3A_18, %get3A_19] : memref<2x1000x128xf32, #tpu.memory_space<vmem>>, vector<1x1000x128xf32>
      %get3A_21 = vector.shape_cast %get3A_20 : vector<1x1000x128xf32> to vector<1000x128xf32>
      %add3A = arith.addf %get3A_16, %get3A_21 : vector<1000x128xf32>
      %get3A_22 = arith.constant 0 : index
      %get3A_23 = arith.constant 0 : index
      %get3A_24 = memref.load %arg1[%get3A_22, %get3A_23] : memref<1x1xf32, #tpu.memory_space<smem>>
      %add3A_25 = arith.constant 1.000000e+00 : f32
      %add3A_26 = arith.addf %add3A_25, %get3A_24 : f32
      %mul3A = vector.broadcast %add3A_26 : f32 to vector<1000x128xf32>
      %mul3A_27 = arith.mulf %mul3A, %get3A_11 : vector<1000x128xf32>
      %add3A_28 = arith.addf %mul3A_27, %add3A : vector<1000x128xf32>
      %get3A_29 = arith.constant 0 : index
      %get3A_30 = arith.constant 0 : index
      %get3A_31 = vector.load %arg5[%get3A_29, %get3A_30] : memref<128x128xf32, #tpu.memory_space<vmem>>, vector<128x128xf32>
      %dot_general3A = arith.constant dense<0.000000e+00> : vector<1000x128xf32>
      %dot_general3A_32 = tpu.matmul %add3A_28, %get3A_31, %dot_general3A {dimension_numbers = #tpu.dot_dimension_numbers<[1], [0], [0], [1], [0, 0, 1, 1], [], []>, transpose_lhs_hint = false} : vector<1000x128xf32>, vector<128x128xf32>, vector<1000x128xf32> -> vector<1000x128xf32>
      %get3A_33 = arith.constant 0 : index
      %get3A_34 = arith.constant 0 : index
      %get3A_35 = vector.load %arg6[%get3A_33, %get3A_34] : memref<1x128xf32, #tpu.memory_space<vmem>>, vector<1x128xf32>
      %add3A_36 = vector.broadcast %get3A_35 : vector<1x128xf32> to vector<1000x128xf32>
      %add3A_37 = arith.addf %dot_general3A_32, %add3A_36 : vector<1000x128xf32>
      %max3A = arith.constant 0.000000e+00 : f32
      %max3A_38 = vector.broadcast %max3A : f32 to vector<1000x128xf32>
      %max3A_39 = arith.maximumf %add3A_37, %max3A_38 : vector<1000x128xf32>
      %get3A_40 = arith.constant 0 : index
      %get3A_41 = arith.constant 0 : index
      %get3A_42 = vector.load %arg7[%get3A_40, %get3A_41] : memref<128x128xf32, #tpu.memory_space<vmem>>, vector<128x128xf32>
      %dot_general3A_43 = arith.constant dense<0.000000e+00> : vector<1000x128xf32>
      %dot_general3A_44 = tpu.matmul %max3A_39, %get3A_42, %dot_general3A_43 {dimension_numbers = #tpu.dot_dimension_numbers<[1], [0], [0], [1], [0, 0, 1, 1], [], []>, transpose_lhs_hint = false} : vector<1000x128xf32>, vector<128x128xf32>, vector<1000x128xf32> -> vector<1000x128xf32>
      %get3A_45 = arith.constant 0 : index
      %get3A_46 = arith.constant 0 : index
      %get3A_47 = vector.load %arg8[%get3A_45, %get3A_46] : memref<1x128xf32, #tpu.memory_space<vmem>>, vector<1x128xf32>
      %add3A_48 = vector.broadcast %get3A_47 : vector<1x128xf32> to vector<1000x128xf32>
      %add3A_49 = arith.addf %dot_general3A_44, %add3A_48 : vector<1000x128xf32>
      %add3A_50 = arith.addf %get3A_11, %add3A_49 : vector<1000x128xf32>
      %mul3A_51 = arith.constant 1000 : i32
      %mul3A_52 = arith.muli %arg0, %mul3A_51 : i32
      %swap3A = arith.index_cast %mul3A_52 : i32 to index
      %swap3A_53 = arith.constant 0 : index
      %swap3A_54 = vector.load %arg14[%swap3A, %swap3A_53] : memref<10000x128xf32, #tpu.memory_space<vmem>>, vector<1000x128xf32>
      tpu.vector_store %arg14[%swap3A, %swap3A_53], %add3A_50 {strides = array<i32>} : memref<10000x128xf32, #tpu.memory_space<vmem>>, vector<1000x128xf32>,
      %get3A_55 = arith.constant 0 : index
      %get3A_56 = arith.constant 0 : index
      %get3A_57 = vector.load %arg4[%get3A_55, %get3A_56] : memref<1000x16xf32, #tpu.memory_space<vmem>>, vector<1000x16xf32>
      %dot_general3A_58 = arith.constant dense<0.000000e+00> : vector<16x128xf32>
      %dot_general3A_59 = tpu.matmul %get3A_57, %add3A_50, %dot_general3A_58 {dimension_numbers = #tpu.dot_dimension_numbers<[0], [0], [1], [1], [0, 1, 1, 1], [], []>, transpose_lhs_hint = false} : vector<1000x16xf32>, vector<1000x128xf32>, vector<16x128xf32> -> vector<16x128xf32>
      %eq3A_60 = arith.constant 0 : i32
      %eq3A_61 = arith.cmpi eq, %arg0, %eq3A_60 : i32
      %convert_element_type3A_62 = arith.extui %eq3A_61 : i1 to i32
      %cond3A_63 = arith.constant 0 : i32
      %cond3A_64 = arith.cmpi ne, %convert_element_type3A_62, %cond3A_63 : i32
      scf.if %cond3A_64 {
        %swap3A_70 = arith.constant 0 : index
        %swap3A_71 = arith.constant 0 : index
        %swap3A_72 = vector.load %arg15[%swap3A_70, %swap3A_71] : memref<16x128xf32, #tpu.memory_space<vmem>>, vector<16x128xf32>
        tpu.vector_store %arg15[%swap3A_70, %swap3A_71], %dot_general3A_59 {strides = array<i32>} : memref<16x128xf32, #tpu.memory_space<vmem>>, vector<16x128xf32>,
      } else {
      }
      %gt3A_65 = arith.constant 0 : i32
      %gt3A_66 = arith.cmpi sgt, %arg0, %gt3A_65 : i32
      %convert_element_type3A_67 = arith.extui %gt3A_66 : i1 to i32
      %cond3A_68 = arith.constant 0 : i32
      %cond3A_69 = arith.cmpi ne, %convert_element_type3A_67, %cond3A_68 : i32
      scf.if %cond3A_69 {
        %get3A_70 = arith.constant 0 : index
        %get3A_71 = arith.constant 0 : index
        %get3A_72 = vector.load %arg15[%get3A_70, %get3A_71] : memref<16x128xf32, #tpu.memory_space<vmem>>, vector<16x128xf32>
        %add3A_73 = arith.addf %get3A_72, %dot_general3A_59 : vector<16x128xf32>
        %swap3A_74 = arith.constant 0 : index
        %swap3A_75 = arith.constant 0 : index
        %swap3A_76 = vector.load %arg15[%swap3A_74, %swap3A_75] : memref<16x128xf32, #tpu.memory_space<vmem>>, vector<16x128xf32>
        tpu.vector_store %arg15[%swap3A_74, %swap3A_75], %add3A_73 {strides = array<i32>} : memref<16x128xf32, #tpu.memory_space<vmem>>, vector<16x128xf32>,
      } else {
      }
    } else {
    }
    %eq3A = arith.constant 10 : i32
    %eq3A_2 = arith.cmpi eq, %arg0, %eq3A : i32
    %convert_element_type3A_3 = arith.extui %eq3A_2 : i1 to i32
    %cond3A_4 = arith.constant 0 : i32
    %cond3A_5 = arith.cmpi ne, %convert_element_type3A_3, %cond3A_4 : i32
    scf.if %cond3A_5 {
      %get3A = arith.constant 0 : index
      %get3A_10 = arith.constant 0 : index
      %get3A_11 = vector.load %arg15[%get3A, %get3A_10] : memref<16x128xf32, #tpu.memory_space<vmem>>, vector<16x128xf32>
      %reduce_sum3A = arith.constant dense<0.000000e+00> : vector<128xf32>
      %reduce_sum3A_12 = vector.multi_reduction <add>, %get3A_11, %reduce_sum3A [0] : vector<16x128xf32> to vector<128xf32>
      %broadcast_in_dim3A = vector.shape_cast %reduce_sum3A_12 : vector<128xf32> to vector<1x128xf32>
      %div3A = arith.constant 1.600000e+01 : f32
      %div3A_13 = vector.broadcast %div3A : f32 to vector<1x128xf32>
      %div3A_14 = arith.divf %broadcast_in_dim3A, %div3A_13 : vector<1x128xf32>
      %sub3A = vector.broadcast %div3A_14 : vector<1x128xf32> to vector<16x128xf32>
      %sub3A_15 = arith.subf %get3A_11, %sub3A : vector<16x128xf32>
      %integer_pow3A = arith.mulf %sub3A_15, %sub3A_15 : vector<16x128xf32>
      %reduce_sum3A_16 = arith.constant dense<0.000000e+00> : vector<128xf32>
      %reduce_sum3A_17 = vector.multi_reduction <add>, %integer_pow3A, %reduce_sum3A_16 [0] : vector<16x128xf32> to vector<128xf32>
      %broadcast_in_dim3A_18 = vector.shape_cast %reduce_sum3A_17 : vector<128xf32> to vector<1x128xf32>
      %div3A_19 = arith.constant 1.600000e+01 : f32
      %div3A_20 = vector.broadcast %div3A_19 : f32 to vector<1x128xf32>
      %div3A_21 = arith.divf %broadcast_in_dim3A_18, %div3A_20 : vector<1x128xf32>
      %sub3A_22 = vector.broadcast %div3A_14 : vector<1x128xf32> to vector<16x128xf32>
      %sub3A_23 = arith.subf %get3A_11, %sub3A_22 : vector<16x128xf32>
      %add3A = arith.constant 9.99999974E-6 : f32
      %add3A_24 = vector.broadcast %add3A : f32 to vector<1x128xf32>
      %add3A_25 = arith.addf %div3A_21, %add3A_24 : vector<1x128xf32>
      %rsqrt3A = math.rsqrt %add3A_25 : vector<1x128xf32>
      %mul3A = vector.broadcast %rsqrt3A : vector<1x128xf32> to vector<16x128xf32>
      %mul3A_26 = arith.mulf %sub3A_23, %mul3A : vector<16x128xf32>
      %get3A_27 = arith.constant 0 : index
      %get3A_28 = arith.constant 0 : index
      %get3A_29 = vector.load %arg11[%get3A_27, %get3A_28] : memref<1x128xf32, #tpu.memory_space<vmem>>, vector<1x128xf32>
      %mul3A_30 = vector.broadcast %get3A_29 : vector<1x128xf32> to vector<16x128xf32>
      %mul3A_31 = arith.mulf %mul3A_26, %mul3A_30 : vector<16x128xf32>
      %get3A_32 = arith.constant 0 : index
      %get3A_33 = arith.constant 0 : index
      %get3A_34 = vector.load %arg12[%get3A_32, %get3A_33] : memref<1x128xf32, #tpu.memory_space<vmem>>, vector<1x128xf32>
      %add3A_35 = vector.broadcast %get3A_34 : vector<1x128xf32> to vector<16x128xf32>
      %add3A_36 = arith.addf %mul3A_31, %add3A_35 : vector<16x128xf32>
      %get3A_37 = arith.constant 0 : index
      %get3A_38 = arith.constant 0 : index
      %get3A_39 = vector.load %arg9[%get3A_37, %get3A_38] : memref<128x128xf32, #tpu.memory_space<vmem>>, vector<128x128xf32>
      %dot_general3A = arith.constant dense<0.000000e+00> : vector<16x128xf32>
      %dot_general3A_40 = tpu.matmul %add3A_36, %get3A_39, %dot_general3A {dimension_numbers = #tpu.dot_dimension_numbers<[1], [0], [0], [1], [0, 0, 1, 1], [], []>, transpose_lhs_hint = false} : vector<16x128xf32>, vector<128x128xf32>, vector<16x128xf32> -> vector<16x128xf32>
      %get3A_41 = arith.constant 0 : index
      %get3A_42 = arith.constant 0 : index
      %get3A_43 = vector.load %arg10[%get3A_41, %get3A_42] : memref<1x128xf32, #tpu.memory_space<vmem>>, vector<1x128xf32>
      %add3A_44 = vector.broadcast %get3A_43 : vector<1x128xf32> to vector<16x128xf32>
      %add3A_45 = arith.addf %dot_general3A_40, %add3A_44 : vector<16x128xf32>
      %max3A = arith.constant 0.000000e+00 : f32
      %max3A_46 = vector.broadcast %max3A : f32 to vector<16x128xf32>
      %max3A_47 = arith.maximumf %add3A_45, %max3A_46 : vector<16x128xf32>
      %swap3A = arith.constant 0 : index
      %swap3A_48 = arith.constant 0 : index
      %swap3A_49 = vector.load %arg16[%swap3A, %swap3A_48] : memref<16x128xf32, #tpu.memory_space<vmem>>, vector<16x128xf32>
      tpu.vector_store %arg16[%swap3A, %swap3A_48], %max3A_47 {strides = array<i32>} : memref<16x128xf32, #tpu.memory_space<vmem>>, vector<16x128xf32>,
    } else {
    }
    %gt3A = arith.constant 10 : i32
    %gt3A_6 = arith.cmpi sgt, %arg0, %gt3A : i32
    %convert_element_type3A_7 = arith.extui %gt3A_6 : i1 to i32
    %cond3A_8 = arith.constant 0 : i32
    %cond3A_9 = arith.cmpi ne, %convert_element_type3A_7, %cond3A_8 : i32
    scf.if %cond3A_9 {
      %sub3A = arith.constant 10 : i32
      %sub3A_10 = arith.subi %arg0, %sub3A : i32
      %sub3A_11 = arith.constant 1 : i32
      %sub3A_12 = arith.subi %sub3A_10, %sub3A_11 : i32
      %mul3A = arith.constant 1000 : i32
      %mul3A_13 = arith.muli %sub3A_12, %mul3A : i32
      %get3A = arith.index_cast %mul3A_13 : i32 to index
      %get3A_14 = arith.constant 0 : index
      %get3A_15 = vector.load %arg14[%get3A, %get3A_14] : memref<10000x128xf32, #tpu.memory_space<vmem>>, vector<1000x128xf32>
      %get3A_16 = arith.constant 0 : index
      %get3A_17 = arith.constant 0 : index
      %get3A_18 = vector.load %arg4[%get3A_16, %get3A_17] : memref<1000x16xf32, #tpu.memory_space<vmem>>, vector<1000x16xf32>
      %get3A_19 = arith.constant 0 : index
      %get3A_20 = arith.constant 0 : index
      %get3A_21 = vector.load %arg16[%get3A_19, %get3A_20] : memref<16x128xf32, #tpu.memory_space<vmem>>, vector<16x128xf32>
      %dot_general3A = arith.constant dense<0.000000e+00> : vector<1000x128xf32>
      %dot_general3A_22 = tpu.matmul %get3A_18, %get3A_21, %dot_general3A {dimension_numbers = #tpu.dot_dimension_numbers<[1], [0], [0], [1], [0, 0, 1, 1], [], []>, transpose_lhs_hint = false} : vector<1000x16xf32>, vector<16x128xf32>, vector<1000x128xf32> -> vector<1000x128xf32>
      %add3A = arith.addf %get3A_15, %dot_general3A_22 : vector<1000x128xf32>
      %swap3A = arith.constant 0 : index
      %swap3A_23 = arith.constant 0 : index
      %swap3A_24 = vector.load %arg13[%swap3A, %swap3A_23] : memref<1000x128xf32, #tpu.memory_space<vmem>>, vector<1000x128xf32>
      tpu.vector_store %arg13[%swap3A, %swap3A_23], %add3A {strides = array<i32>} : memref<1000x128xf32, #tpu.memory_space<vmem>>, vector<1000x128xf32>,
    } else {
    }
    return
  }
  func.func @transform_0(%arg0: i32) -> (i32, i32) {
    %c0_i32 = arith.constant 0 : i32
    %c0_i32_0 = arith.constant 0 : i32
    %c0_i32_1 = arith.constant 0 : i32
    return %c0_i32, %c0_i32_0 : i32, i32
  }
  func.func @transform_1(%arg0: i32) -> (i32, i32) {
    %min3A = arith.constant 9 : i32
    %min3A_0 = arith.minsi %arg0, %min3A : i32
    %c0_i32 = arith.constant 0 : i32
    %c0_i32_1 = arith.constant 0 : i32
    return %min3A_0, %c0_i32 : i32, i32
  }
  func.func @transform_2(%arg0: i32) -> (i32, i32, i32) {
    %min3A = arith.constant 9 : i32
    %min3A_0 = arith.minsi %arg0, %min3A : i32
    %c0_i32 = arith.constant 0 : i32
    %c0_i32_1 = arith.constant 0 : i32
    %c0_i32_2 = arith.constant 0 : i32
    return %c0_i32, %min3A_0, %c0_i32_1 : i32, i32, i32
  }
  func.func @transform_3(%arg0: i32) -> (i32, i32) {
    %lt3A = arith.constant 10 : i32
    %lt3A_0 = arith.cmpi slt, %arg0, %lt3A : i32
    %sub3A = arith.constant 10 : i32
    %sub3A_1 = arith.subi %arg0, %sub3A : i32
    %sub3A_2 = arith.constant 1 : i32
    %sub3A_3 = arith.subi %sub3A_1, %sub3A_2 : i32
    %jit3A = arith.constant 0 : i32
    %jit3A_4 = arith.constant 9 : i32
    %max3A = arith.maxsi %jit3A, %sub3A_3 : i32
    %min3A = arith.minsi %jit3A_4, %max3A : i32
    %select_n3A = arith.select %lt3A_0, %arg0, %min3A : i32
    %c0_i32 = arith.constant 0 : i32
    %c0_i32_5 = arith.constant 0 : i32
    return %select_n3A, %c0_i32 : i32, i32
  }
  func.func @transform_4(%arg0: i32) -> (i32, i32) {
    %c0_i32 = arith.constant 0 : i32
    %c0_i32_0 = arith.constant 0 : i32
    %c0_i32_1 = arith.constant 0 : i32
    return %c0_i32, %c0_i32_0 : i32, i32
  }
  func.func @transform_5(%arg0: i32) -> (i32, i32) {
    %c0_i32 = arith.constant 0 : i32
    %c0_i32_0 = arith.constant 0 : i32
    %c0_i32_1 = arith.constant 0 : i32
    return %c0_i32, %c0_i32_0 : i32, i32
  }
  func.func @transform_6(%arg0: i32) -> (i32, i32) {
    %c0_i32 = arith.constant 0 : i32
    %c0_i32_0 = arith.constant 0 : i32
    %c0_i32_1 = arith.constant 0 : i32
    return %c0_i32, %c0_i32_0 : i32, i32
  }
  func.func @transform_7(%arg0: i32) -> (i32, i32) {
    %c0_i32 = arith.constant 0 : i32
    %c0_i32_0 = arith.constant 0 : i32
    %c0_i32_1 = arith.constant 0 : i32
    return %c0_i32, %c0_i32_0 : i32, i32
  }
  func.func @transform_8(%arg0: i32) -> (i32, i32) {
    %c0_i32 = arith.constant 0 : i32
    %c0_i32_0 = arith.constant 0 : i32
    %c0_i32_1 = arith.constant 0 : i32
    return %c0_i32, %c0_i32_0 : i32, i32
  }
  func.func @transform_9(%arg0: i32) -> (i32, i32) {
    %c0_i32 = arith.constant 0 : i32
    %c0_i32_0 = arith.constant 0 : i32
    %c0_i32_1 = arith.constant 0 : i32
    return %c0_i32, %c0_i32_0 : i32, i32
  }
  func.func @transform_10(%arg0: i32) -> (i32, i32) {
    %c0_i32 = arith.constant 0 : i32
    %c0_i32_0 = arith.constant 0 : i32
    %c0_i32_1 = arith.constant 0 : i32
    return %c0_i32, %c0_i32_0 : i32, i32
  }
  func.func @transform_11(%arg0: i32) -> (i32, i32) {
    %c0_i32 = arith.constant 0 : i32
    %c0_i32_0 = arith.constant 0 : i32
    %c0_i32_1 = arith.constant 0 : i32
    return %c0_i32, %c0_i32_0 : i32, i32
  }
  func.func @transform_12(%arg0: i32) -> (i32, i32) {
    %sub3A = arith.constant 10 : i32
    %sub3A_0 = arith.subi %arg0, %sub3A : i32
    %sub3A_1 = arith.constant 1 : i32
    %sub3A_2 = arith.subi %sub3A_0, %sub3A_1 : i32
    %jit3A = arith.constant 0 : i32
    %jit3A_3 = arith.constant 9 : i32
    %max3A = arith.maxsi %jit3A, %sub3A_2 : i32
    %min3A = arith.minsi %jit3A_3, %max3A : i32
    %c0_i32 = arith.constant 0 : i32
    %c0_i32_4 = arith.constant 0 : i32
    return %min3A, %c0_i32 : i32, i32
  }
}

</mosaic_0001>

<sc_bundles>
// kernel: kernel.4.cloned.1.call-start
scs
__scs_entry_jumppad:
0x0: {  	(pc) =	sbr.rel $0x88, $3  }
0x1: {  	(tag) =	ssettag $0x0;
	lr =	simm.s32 $0x1  }
0x2: {  	[smem:$0x3F95] =	sst lr;
	_ =	strace $0xD0000000  }
0x3: {  	_ = 	snop  }
0x4: {  	_ = 	snop  }
0x5: {  	_ = 	snop  }
0x6: {  	_ = 	snop  }
0x7: {  	_ = 	snop  }
__scs_overlays_trampoline_lowered:
0x8: {  	[smem:$0x3FA4] =	sst s0  }
0x9: {  	[smem:$0x3FA5] =	sst s1  }
0xa: {  	[smem:$0x3FA6] =	sst s2  }
0xb: {  	[smem:$0x3FA7] =	sst s3  }
0xc: {  	[smem:$0x3FA8] =	sst s4  }
0xd: {  	[smem:$0x3FA9] =	sst s5  }
0xe: {  	[smem:$0x3FAA] =	sst s6  }
0xf: {  	[smem:$0x3FAB] =	sst s7  }
0x10: {  	[smem:$0x3FAC] =	sst s8  }
0x11: {  	[smem:$0x3FAD] =	sst s9;
	s0 =	simm.s32 @!p0 $0x0  }
0x12: {  	s1 =	sld [smem:$0x3F93];
	s0 =	simm.s32 @p0 $0x1  }
0x13: {  	[smem:$0x3FAE] =	sst s0;
	s0 =	simm.s32 @!p1 $0x0  }
0x14: {  	s2 =	sld [smem:$0x3F92];
	s0 =	simm.s32 @p1 $0x1  }
0x15: {  	[smem:$0x3FAF] =	sst s0;
	s0 =	simm.s32 @!p2 $0x0  }
0x16: {  	s3 =	sld [smem:$0x3FDB];
	s0 =	simm.s32 @p2 $0x1  }
0x17: {  	s4 =	simm.s32 $0x1BF5;
	[smem:$0x3FB1] =	sst s0  }
0x18: {  	s0 =	sld [smem:$0x3F94];
	_ =	swait.ge [sflag:s4], $0x0  }
0x19: {  	s7 =	sld [smem:$0x3F95]  }
0x1a: {  	s8 =	sadd.s32 $0xFFFFE003, lr  }
0x1b: {  	s9 =	sadd.s32 $0xFFFFFEF7, lr;
	s5 =	simm.s32 $0xFFFFFFFF;
	p2 =	slt.u32 s8, $0xFFFFF086  }
0x1c: {  	p1 =	slt.u32 s9, $0xF7A;
	s5 =	simm.s32 @!p2 $0x0  }
0x1d: {  	s5 =	simm.s32 @p1 $0x1;
	p0 =	seq.s32 s7, s2  }
0x1e: {  	s7 =	smul.u32 @!p0 $0xF7A, s2;
	p2 =	seq.s32 @!p0 s5, $0x0  }
0x1f: {  	s9 =	smul.u32 $0xF7A, s1;
	s8 =	simm.s32 @!p0 $0x1BF5;
	p2 =	por !p2, p0  }
0x20: {  	[sflag:s8] =	ssyncset.s32 @!p0 $0xFFFFF086;
	s6 =	sadd.s32 @!p0 s3, s7;
	s7 =	simm.s32 @!p0 $0x108  }
0x21: {  	s3 =	sadd.s32 s3, s9;
	s6 =	sadd.s32 @!p0 $0x88, s6;
	s7 =	simm.s32 @p2 $0x1082  }
0x22: {  	[simem:s7], [sflag:s8] =	dma.local @!p0 [hbm:s6], $0xF7A  }
0x23: {  	s9 =	sor.u32 $0xD0000000, s2;
	s6 =	simm.s32 $0x108;
	_ =	swait.ge @!p0 [sflag:s8], $0x0  }
0x24: {  	s3 =	sadd.s32 $0x88, s3;
	s6 =	simm.s32 @!p1 $0x1082;
	[sflag:s4] =	ssyncset.s32 $0xFFFFF086  }
0x25: {  	[simem:s6], [sflag:s4] =	dma.local [hbm:s3], $0xF7A  }
0x26: {  	[smem:$0x3F95] =	sst s1;
	(tag) =	ssettag s2;
	_ =	strace s9  }
0x27: {  	s1 =	sld [smem:$0x3FA5]  }
0x28: {  	s2 =	sld [smem:$0x3FA6]  }
0x29: {  	s4 =	sld [smem:$0x3FA8]  }
0x2a: {  	p0 =	seq.s32 s5, $0x0;
	s5 =	sld [smem:$0x3FA9]  }
0x2b: {  	s6 =	sld [smem:$0x3FAA]  }
0x2c: {  	s7 =	sld [smem:$0x3FAB]  }
0x2d: {  	s3 =	simm.s32 $0x108;
	s8 =	sld [smem:$0x3FAC]  }
0x2e: {  	s3 =	simm.s32 @!p0 $0x1082;
	s9 =	sld [smem:$0x3FAD]  }
0x2f: {  	lr =	sadd.s32 s0, s3;
	s0 =	sld [smem:$0x3FA4]  }
0x30: {  	s3 =	sld [smem:$0x3FA7]  }
0x31: {  	[smem:$0x3FB0] =	sst s10  }
0x32: {  	s10 =	sld [smem:$0x3FAE];
	_ =	sdelay $0x3  }
0x33: {  	p0 =	seq.s32 s10, $0x1;
	s10 =	sld [smem:$0x3FB0];
	_ =	sdelay $0x3  }
0x34: {  	[smem:$0x3FB0] =	sst s10  }
0x35: {  	s10 =	sld [smem:$0x3FAF];
	_ =	sdelay $0x3  }
0x36: {  	p1 =	seq.s32 s10, $0x1;
	s10 =	sld [smem:$0x3FB0];
	_ =	sdelay $0x3  }
0x37: {  	[smem:$0x3FB0] =	sst s10  }
0x38: {  	s10 =	sld [smem:$0x3FB1]  }
0x39: {  	_ = 	snop;
	(pc) =	sbr.ind lr, $3  }
0x3a: {  	_ = 	snop  }
0x3b: {  	_ = 	snop  }
0x3c: {  	p2 =	seq.s32 s10, $0x1;
	s10 =	sld [smem:$0x3FB0]  }
0x3d: {  	_ =	shalt  }
0x3e: {  	_ =	shalt  }
0x3f: {  	_ =	shalt  }
0x40: {  	_ =	shalt  }
0x41: {  	_ =	shalt  }
0x42: {  	_ =	shalt  }
0x43: {  	_ =	shalt  }
0x44: {  	_ =	shalt  }
0x45: {  	_ =	shalt  }
0x46: {  	_ =	shalt  }
0x47: {  	_ =	shalt  }
0x48: {  	_ =	shalt  }
0x49: {  	_ =	shalt  }
0x4a: {  	_ =	shalt  }
0x4b: {  	_ =	shalt  }
0x4c: {  	_ =	shalt  }
0x4d: {  	_ =	shalt  }
0x4e: {  	_ =	shalt  }
0x4f: {  	_ =	shalt  }
0x50: {  	_ =	shalt  }
0x51: {  	_ =	shalt  }
0x52: {  	_ =	shalt  }
0x53: {  	_ =	shalt  }
0x54: {  	_ =	shalt  }
0x55: {  	_ =	shalt  }
0x56: {  	_ =	shalt  }
0x57: {  	_ =	shalt  }
0x58: {  	_ =	shalt  }
0x59: {  	_ =	shalt  }
0x5a: {  	_ =	shalt  }
0x5b: {  	_ =	shalt  }
0x5c: {  	_ =	shalt  }
0x5d: {  	_ =	shalt  }
0x5e: {  	_ =	shalt  }
0x5f: {  	_ =	shalt  }
0x60: {  	_ =	shalt  }
0x61: {  	_ =	shalt  }
0x62: {  	_ =	shalt  }
0x63: {  	_ =	shalt  }
0x64: {  	_ =	shalt  }
0x65: {  	_ =	shalt  }
0x66: {  	_ =	shalt  }
0x67: {  	_ =	shalt  }
0x68: {  	_ =	shalt  }
0x69: {  	_ =	shalt  }
0x6a: {  	_ =	shalt  }
0x6b: {  	_ =	shalt  }
0x6c: {  	_ =	shalt  }
0x6d: {  	_ =	shalt  }
0x6e: {  	_ =	shalt  }
0x6f: {  	_ =	shalt  }
0x70: {  	_ =	shalt  }
0x71: {  	_ =	shalt  }
0x72: {  	_ =	shalt  }
0x73: {  	_ =	shalt  }
0x74: {  	_ =	shalt  }
0x75: {  	_ =	shalt  }
0x76: {  	_ =	shalt  }
0x77: {  	_ =	shalt  }
0x78: {  	_ =	shalt  }
0x79: {  	_ =	shalt  }
0x7a: {  	_ =	shalt  }
0x7b: {  	_ =	shalt  }
0x7c: {  	_ =	shalt  }
0x7d: {  	_ =	shalt  }
0x7e: {  	_ =	shalt  }
0x7f: {  	_ =	shalt  }
0x80: {  	_ =	shalt  }
0x81: {  	_ =	shalt  }
0x82: {  	_ =	shalt  }
0x83: {  	_ =	shalt  }
0x84: {  	_ =	shalt  }
0x85: {  	_ =	shalt  }
0x86: {  	_ =	shalt  }
0x87: {  	_ =	shalt  }
.Lfunc_end0:
.L_simem_size_0:
called_computation_lowered:
.L_overlay_start_0:
0x88: {  	s2 =	sld [smem:$0x3FD9]  }
0x89: {  	s3 =	sld [smem:$0x3FFE];
	_ =	sdelay $0x1  }
0x8a: {  	s1 =	srdreg.scid  }
0x8b: {  	s0 =	sand.u32 $0x1, s1  }
0x8c: {  	s17 =	sshll.u32 s0, $0xA;
	s2 =	sadd.s32 s3, s2  }
0x8d: {  	s2 =	sadd.s32 s2, s17  }
0x8e: {  	[smem:$0x3FBC] =	sst s2  }
0x8f: {  	_ = 	snop  }
0x90: {  	s2 =	sld [smem:$0x3FC9]  }
0x91: {  	s18 =	sld [smem:$0x3FD0];
	(tm) =	ssettm $0x1  }
0x92: {  	s4 =	sld [smem:$0x3FFB];
	_ =	sdelay $0x3  }
0x93: {  	_ =	strace s4  }
0x94: {  	s4 =	sld [smem:$0x3FFC];
	_ =	sdelay $0x3  }
0x95: {  	_ =	strace s4  }
0x96: {  	s4 =	sld [smem:$0x3FFD];
	_ =	sdelay $0x3  }
0x97: {  	_ =	strace s4  }
0x98: {  	_ =	strace $0x8FFFFFFF  }
0x99: {  	s19 =	sld [smem:$0x3FDB];
	_ =	sdelay $0x1  }
0x9a: {  	s5 =	simm.s32 $_scs_section_size  }
0x9b: {  	s6 =	simm.s32 $_size__tile_overlayer_lowered;
	s7 =	simm.s32 $_tile_overlayer_lowered  }
0x9c: {  	s22 =	simm.s32 $0x1BFF;
	s21 =	sshll.u32 s7, $0x1;
	s4 =	sadd.s32 s5, s19  }
0x9d: {  	s8 =	simm.s32 $0x0;
	s20 =	sshll.u32 s6, $0x1;
	s6 =	sadd.s32 s21, s4  }
0x9e: {  	[timem:s8], [sflag:s22] =	dma.local [hbm:s6], s20  }
0x9f: {  	_ =	swait.ge [sflag:s22], s20  }
0xa0: {  	s5 =	ssub.s32 $0x0, s20;
	[sflag:s22] =	ssyncset.done $0x0  }
0xa1: {  	[sflag:s22] =	ssyncadd.s32 s5;
	_ =	sdelay $0x1  }
0xa2: {  	s23 =	simm.s32 $0x1B8B  }
0xa3: {  	_ =	swait.ge [sflag:s23], $0x1  }
0xa4: {  	[sflag:s23] =	ssyncset.done $0x0  }
0xa5: {  	s25 =	simm.s32 $0x1B8E;
	s24 =	sld [smem:$0x3FFE];
	[sflag:s23] =	ssyncadd.s32 $0xFFFFFFFF  }
0xa6: {  	s26 =	simm.s32 $execute0_lowered;
	[smem:$0x3FD2] =	sst s25  }
0xa7: {  	s6 =	sshll.u32 s26, $0x1;
	_ =	strace $0x80000046;
	[dreg:$0x1] =	wrdreg $0xFFFFFFFF  }
0xa8: {  	s28 =	simm.s32 $_size_execute0_lowered;
	s4 =	sadd.s32 s4, s6;
	[dreg:$0x0] =	wrdreg $0x0  }
0xa9: {  	s6 =	sshll.u32 s28, $0x1;
	[dreg:$0x2] =	wrdreg s4  }
0xaa: {  	[dreg:$0x3] =	wrdreg s6  }
0xab: {  	[dreg:$0x4] =	wrdreg $0xC0  }
0xac: {  	_ =	task [dreg:s8], $0x5FFFF  }
0xad: {  	[dreg:$0x1] =	wrdreg $0xFFFFFFFF  }
0xae: {  	[dreg:$0x0] =	wrdreg $0x60  }
0xaf: {  	[dreg:$0x2] =	wrdreg s2  }
0xb0: {  	[dreg:$0x3] =	wrdreg s18  }
0xb1: {  	[dreg:$0x4] =	wrdreg s24  }
0xb2: {  	[dreg:$0x5] =	wrdreg $0x84000  }
0xb3: {  	[dreg:$0x6] =	wrdreg $0x9  }
0xb4: {  	_ =	task.clear_ibuf [dreg:s8], $0x7FFFF;
	_ =	strace $0x90000046  }
0xb5: {  	s29 =	simm.s32 $0x9;
	_ =	strace $0x80000048  }
0xb6: {  	_ =	swait.ge [sflag:s29], $0x1  }
0xb7: {  	[sflag:s29] =	ssyncadd.s32 $0xFFFFFFFF  }
0xb8: {  	_ =	strace $0x90000048  }
0xb9: {  	_ =	sfence  }
0xba: {  	s30 =	sld [smem:$0x0];
	_ =	sdelay $0x2  }
0xbb: {  	s31 =	sshll.u32 s1, $0xD;
	s1 =	sshrl.u32 s1, $0x2  }
0xbc: {  	s3 =	sand.u32 $0x4000, s31;
	s1 =	sadd.s32 s1, s30  }
0xbd: {  	s0 =	sor.u32 s3, s0;
	s1 =	sshll.u32 s1, $0x11  }
0xbe: {  	s0 =	sor.u32 s1, s0  }
0xbf: {  	s0 =	sadd.s32 $0x8F2B, s0  }
0xc0: {  	[sflag:s0] =	ssyncadd.remote.s32 $0x1  }
0xc1: {  	_ =	sfence.sel $0xFFFF  }
0xc2: {  	[dreg:$0x0] =	wrdreg $0xFFFFFFFF;
	(pc) =	sbr.abs _section_cstart, $3  }
0xc3: {  	[dreg:$0x1] =	wrdreg $0xFFFFFFFF  }
0xc4: {  	_ =	task.clear_ibuf [dreg:s8], $0x2FFFF;
	_ =	strace $0x9FFFFFFF  }
0xc5: {  	(tm) =	ssettm $0x7FFFFFFF  }
tec
execute0_lowered:
.L_overlay_start_1:
0x0: {  	(tag) =	ssettag $0x1  }
0x1: {  	s1 =	rddreg [dreg:$0x0]  }
0x2: {  	s0 =	rddreg [dreg:$0x1]  }
0x3: {  	s3 =	rddreg [dreg:$0x2]  }
0x4: {  	s2 =	rddreg [dreg:$0x3];
	s12 =	stileid.u32  }
0x5: {  	s4 =	srdreg.scid;
	s29 =	simm.s32 $0x1;
	s7 =	smul.u32 $0x13C00, s12  }
0x6: {  	s30 =	simm.s32 $0x80;
	s31 =	simm.s32 $0x2;
	s24 =	smul.u32 $0xA0, s12  }
0x7: {  	s28 =	simm.s32 $0x0;
	s5 =	sand.u32 $0x1, s4;
	s10 =	smul.u32 $0x50000, s12  }
0x8: {  	s4 =	simm.s32 $0x0;
	s8 =	sadd.s32 $0x1800, s3;
	s14 =	smul.u32 $0x4F000, s12  }
0x9: {  	s6 =	smul.u32 $0x13C000, s5;
	[smem:$0x7FF] =	sst s4;
	s25 =	ssub.s32 $0x2, s5  }
0xa: {  	s9 =	smul.u32 $0x7C, s5;
	p0 =	seq.s32 s5, $0x0;
	_ =	strace $0x80000047  }
0xb: {  	[dreg:$0xa] =	wrdreg s8;
	s26 =	sshrl.u32 s25, $0x1;
	s6 =	sadd.s32 s7, s6  }
0xc: {  	s11 =	ssub.s32 s25, s26;
	s7 =	sadd.s32 s9, s24;
	s9 =	sshrl.u32 s10, $0x2  }
0xd: {  	s24 =	simm.s32 $0x180;
	s25 =	simm.s32 $0x280;
	s26 =	simm.s32 $0x380  }
0xe: {  	s6 =	sshrl.u32 s6, $0x3;
	s10 =	sshll.u32 s7, $0x5;
	[dreg:$0x6] =	wrdreg s24  }
0xf: {  	s7 =	sadd.s32 s9, s2;
	s19 =	smax.u32 s11, $0x1;
	[dreg:$0x8] =	wrdreg s25  }
0x10: {  	[dreg:$0x9] =	wrdreg s26;
	s26 =	simm.s32 $0x6;
	s3 =	sadd.s32 s6, s3  }
0x11: {  	s6 =	simm.s32 $0x7C;
	[dreg:$0x10] =	wrdreg s19;
	s20 =	sadd.s32 $0x4000, s7  }
0x12: {  	s8 =	sadd.s32 s0, s10;
	s21 =	sadd.s32 $0x8000, s7;
	[dreg:$0x11] =	wrdreg s20  }
0x13: {  	s22 =	sadd.s32 $0xC000, s7;
	s23 =	sadd.s32 $0x10000, s7;
	[dreg:$0x12] =	wrdreg s21  }
0x14: {  	s6 =	simm.s32 @!p0 $0x24;
	s0 =	sadd.s32 $0x20, s8;
	[dreg:$0x13] =	wrdreg s22  }
0x15: {  	s13 =	sadd.s32 $0x40, s8;
	s15 =	sadd.s32 $0x60, s8;
	[dreg:$0x14] =	wrdreg s23  }
0x16: {  	s3 =	sadd.s32 $0x2000, s3;
	s12 =	sadd.s32 $0x80, s8;
	[dreg:$0xb] =	wrdreg s0  }
0x17: {  	s20 =	sadd.s32 $0xE0, s8;
	s21 =	sadd.s32 $0xC0, s8;
	[dreg:$0xc] =	wrdreg s13  }
0x18: {  	s22 =	simm.s32 $0x400;
	s23 =	simm.s32 $0x7;
	[dreg:$0xd] =	wrdreg s15  }
0x19: {  	s16 =	sshrl.u32 s6, $0x2;
	s17 =	sadd.s32 $0xFFFFFFFE, s6;
	[dreg:$0xf] =	wrdreg s3  }
0x1a: {  	s18 =	sadd.s32 $0xFFFFFFFD, s6;
	s0 =	sshrl.u32 s14, $0x2;
	[dreg:$0xe] =	wrdreg s16  }
0x1b: {  	s3 =	simm.s32 $0x5;
	[dreg:$0x5] =	wrdreg s17;
	s0 =	sadd.s32 s0, s2  }
0x1c: {  	[dreg:$0x7] =	wrdreg s18;
	s25 =	sshrl.u32 s0, $0x3;
	s0 =	simm.s32 $0x4400  }
.LBB2_1:
0x1d: {  	s5 =	rddreg [dreg:$0xa]  }
0x1e: {  	[tilespmem:s22], [sflag:$0x7] =	stream.linear.gather [hbm4b:s5+s4], $0x4000, $0x38;
	[tilespmem:$0x1C400] =	vst v63  }
0x1f: {  	_ =	swait.ge [sflag:s23], $0x4000  }
0x20: {  	[sflag:s23] =	ssyncset.done $0x0  }
0x21: {  	[sflag:s23] =	ssyncadd.s32 $0xFFFFC000  }
0x22: {  	[spmem:s7] =	stream.linear.scatter [tilespmem:s22], [sflag:$0x7], $0x4000, $0x38;
	[tilespmem:$0x1C400] =	vst v63  }
0x23: {  	_ =	swait.ge [sflag:s23], $0x4000  }
0x24: {  	[sflag:s23] =	ssyncset.done $0x0  }
0x25: {  	s18 =	rddreg [dreg:$0x11];
	[sflag:s23] =	ssyncadd.s32 $0xFFFFC000  }
0x26: {  	[spmem:s18] =	stream.linear.scatter [tilespmem:s22], [sflag:$0x7], $0x4000, $0x38;
	[tilespmem:$0x1C400] =	vst v63  }
0x27: {  	_ =	swait.ge [sflag:s23], $0x4000  }
0x28: {  	[sflag:s23] =	ssyncset.done $0x0  }
0x29: {  	s19 =	rddreg [dreg:$0x12];
	[sflag:s23] =	ssyncadd.s32 $0xFFFFC000  }
0x2a: {  	[spmem:s19] =	stream.linear.scatter [tilespmem:s22], [sflag:$0x7], $0x4000, $0x38;
	[tilespmem:$0x1C400] =	vst v63  }
0x2b: {  	_ =	swait.ge [sflag:s23], $0x4000  }
0x2c: {  	[sflag:s23] =	ssyncset.done $0x0  }
0x2d: {  	s24 =	rddreg [dreg:$0x13];
	[sflag:s23] =	ssyncadd.s32 $0xFFFFC000  }
0x2e: {  	[spmem:s24] =	stream.linear.scatter [tilespmem:s22], [sflag:$0x7], $0x4000, $0x38;
	[tilespmem:$0x1C400] =	vst v63  }
0x2f: {  	_ =	swait.ge [sflag:s23], $0x4000  }
0x30: {  	[sflag:s23] =	ssyncset.done $0x0  }
0x31: {  	s9 =	rddreg [dreg:$0x14];
	[sflag:s23] =	ssyncadd.s32 $0xFFFFC000  }
0x32: {  	[spmem:s9] =	stream.linear.scatter [tilespmem:s22], [sflag:$0x7], $0x4000, $0x38;
	[tilespmem:$0x1C400] =	vst v63  }
0x33: {  	_ =	swait.ge [sflag:s23], $0x4000  }
0x34: {  	[sflag:s23] =	ssyncset.done $0x0  }
0x35: {  	[sflag:s23] =	ssyncadd.s32 $0xFFFFC000  }
0x36: {  	[bflag:$0x0] =	sbarrier.arrive $0xFFFF  }
0x37: {  	[tilespmem:s4], [sflag:$0x1] =	stream.linear.gather [hbm4b:s8+s4], $0x100, $0x38;
	[tilespmem:$0x1C400] =	vst v63  }
0x38: {  	s9 =	simm.s32 $0x100;
	s10 =	rddreg [dreg:$0xb]  }
0x39: {  	[tilespmem:s9], [sflag:$0x2] =	stream.linear.gather [hbm4b:s10+s4], $0x100, $0x38;
	[tilespmem:$0x1C400] =	vst v63  }
0x3a: {  	s11 =	rddreg [dreg:$0xc];
	s10 =	simm.s32 $0x200  }
0x3b: {  	[tilespmem:s10], [sflag:$0x3] =	stream.linear.gather [hbm4b:s11+s4], $0x100, $0x38;
	[tilespmem:$0x1C400] =	vst v63  }
0x3c: {  	s14 =	simm.s32 $0x300;
	s13 =	rddreg [dreg:$0xd]  }
0x3d: {  	[tilespmem:s14], [sflag:$0x4] =	stream.linear.gather [hbm4b:s13+s4], $0x100, $0x38;
	[tilespmem:$0x1C400] =	vst v63  }
0x3e: {  	_ =	swait.ge [sflag:s29], $0x100  }
0x3f: {  	[sflag:s29] =	ssyncset.done $0x0  }
0x40: {  	[sflag:s29] =	ssyncadd.s32 $0xFFFFFF00  }
0x41: {  	[tilespmem:s22], [sflag:$0x5] =	stream.indirect.gather [hbm4b:s1+s30], $0x80, s4, s30, $0xb8;
	[tilespmem:$0x1C400] =	vst v63  }
0x42: {  	_ =	swait.ge [sflag:s31], $0x100  }
0x43: {  	[sflag:s31] =	ssyncset.done $0x0  }
0x44: {  	[sflag:s31] =	ssyncadd.s32 $0xFFFFFF00  }
0x45: {  	[tilespmem:s0], [sflag:$0x6] =	stream.indirect.gather [hbm4b:s1+s30], $0x80, s9, s30, $0xb8;
	[tilespmem:$0x1C400] =	vst v63  }
0x46: {  	_ =	swait.ge [sflag:s3], $0x4000  }
0x47: {  	[sflag:s3] =	ssyncset.done $0x0  }
0x48: {  	[sflag:s3] =	ssyncadd.s32 $0xFFFFC000  }
0x49: {  	[spmem:s2] =	stream.indirect.scatter.add.f32 [tilespmem:s22], [sflag:$0x7], $0x80, s30, s30, $0xb8;
	[tilespmem:$0x1C400] =	vst v63  }
0x4a: {  	_ =	swait.ge [sflag:s23], $0x4000  }
0x4b: {  	p1 =	sle.u32 s6, $0x4;
	[sflag:s23] =	ssyncset.done $0x0;
	s15 =	rddreg [dreg:$0x5]  }
0x4c: {  	s9 =	simm.s32 @!p1 $0x0;
	[sflag:s23] =	ssyncadd.s32 $0xFFFFC000;
	p0 =	sle.u32 s15, $0x0  }
0x4d: {  	[tilespmem:s9], [sflag:$0x1] =	stream.linear.gather @!p1 [hbm4b:s12+s9], $0x100, $0x38;
	[tilespmem:$0x1C400] =	vst v63  }
0x4e: {  	s5 =	simm.s32 @!p0 $0x3  }
0x4f: {  	_ =	swait.ge @!p0 [sflag:s5], $0x100  }
0x50: {  	s10 =	simm.s32 @!p0 $0x400;
	[sflag:s5] =	ssyncset.done @!p0 $0x0  }
0x51: {  	s11 =	simm.s32 @!p0 $0x200;
	[sflag:s5] =	ssyncadd.s32 @!p0 $0xFFFFFF00;
	s5 =	simm.s32 @!p0 $0x80  }
0x52: {  	[tilespmem:s10], [sflag:$0x5] =	stream.indirect.gather @!p0 [hbm4b:s1+s5], $0x80, s11, s5, $0xb8;
	[tilespmem:$0x1C400] =	vst v63  }
0x53: {  	_ =	swait.ge [sflag:s26], $0x4000  }
0x54: {  	[sflag:s26] =	ssyncset.done $0x0  }
0x55: {  	s16 =	rddreg [dreg:$0x6];
	[sflag:s26] =	ssyncadd.s32 $0xFFFFC000  }
0x56: {  	[spmem:s2] =	stream.indirect.scatter.add.f32 [tilespmem:s0], [sflag:$0x7], $0x80, s16, s30, $0xb8;
	[tilespmem:$0x1C400] =	vst v63  }
0x57: {  	p0 =	sle.u32 s6, $0x5;
	_ =	swait.ge [sflag:s23], $0x4000  }
0x58: {  	s10 =	sadd.s32 @!p0 $0xFFFFFFC0, s20;
	s17 =	rddreg [dreg:$0x7]  }
0x59: {  	s5 =	simm.s32 @!p0 $0x0;
	[sflag:s23] =	ssyncset.done $0x0;
	p2 =	sle.u32 s17, $0x0  }
0x5a: {  	s13 =	simm.s32 @!p0 $0x100;
	[sflag:s23] =	ssyncadd.s32 $0xFFFFC000;
	s11 =	simm.s32 @!p2 $0x4  }
0x5b: {  	[tilespmem:s13], [sflag:$0x2] =	stream.linear.gather @!p0 [hbm4b:s10+s5], $0x100, $0x38;
	[tilespmem:$0x1C400] =	vst v63  }
0x5c: {  	_ =	swait.ge @!p2 [sflag:s11], $0x100  }
0x5d: {  	s5 =	simm.s32 @!p2 $0x4400;
	[sflag:s11] =	ssyncset.done @!p2 $0x0  }
0x5e: {  	s10 =	simm.s32 @!p2 $0x80;
	s14 =	simm.s32 @!p2 $0x300;
	[sflag:s11] =	ssyncadd.s32 @!p2 $0xFFFFFF00  }
0x5f: {  	[tilespmem:s5], [sflag:$0x6] =	stream.indirect.gather @!p2 [hbm4b:s1+s10], $0x80, s14, s10, $0xb8;
	[tilespmem:$0x1C400] =	vst v63  }
0x60: {  	_ =	swait.ge [sflag:s3], $0x4000  }
0x61: {  	[sflag:s3] =	ssyncset.done $0x0  }
0x62: {  	s18 =	rddreg [dreg:$0x8];
	[sflag:s3] =	ssyncadd.s32 $0xFFFFC000  }
0x63: {  	[spmem:s2] =	stream.indirect.scatter.add.f32 [tilespmem:s22], [sflag:$0x7], $0x80, s18, s30, $0xb8;
	[tilespmem:$0x1C400] =	vst v63  }
0x64: {  	_ =	swait.ge [sflag:s23], $0x4000  }
0x65: {  	s11 =	simm.s32 @!p1 $0x1;
	p2 =	sle.u32 s6, $0x6;
	[sflag:s23] =	ssyncset.done $0x0  }
0x66: {  	s5 =	simm.s32 @!p2 $0x0;
	s10 =	simm.s32 @!p2 $0x200;
	[sflag:s23] =	ssyncadd.s32 $0xFFFFC000  }
0x67: {  	[tilespmem:s10], [sflag:$0x3] =	stream.linear.gather @!p2 [hbm4b:s21+s5], $0x100, $0x38;
	[tilespmem:$0x1C400] =	vst v63  }
0x68: {  	_ =	swait.ge @!p1 [sflag:s11], $0x100  }
0x69: {  	[sflag:s11] =	ssyncset.done @!p1 $0x0  }
0x6a: {  	s5 =	simm.s32 @!p1 $0x80;
	s10 =	simm.s32 @!p1 $0x400;
	[sflag:s11] =	ssyncadd.s32 @!p1 $0xFFFFFF00  }
0x6b: {  	[tilespmem:s10], [sflag:$0x5] =	stream.indirect.gather @!p1 [hbm4b:s1+s5], $0x80, s9, s5, $0xb8;
	[tilespmem:$0x1C400] =	vst v63  }
0x6c: {  	s15 =	simm.s32 @!p0 $0x80;
	_ =	swait.ge [sflag:s26], $0x4000  }
0x6d: {  	s16 =	simm.s32 @!p0 $0x4400;
	[sflag:s26] =	ssyncset.done $0x0;
	s24 =	rddreg [dreg:$0xe]  }
0x6e: {  	s19 =	rddreg [dreg:$0x9];
	s5 =	sadd.s32 $0xFFFFFFFF, s24;
	[sflag:s26] =	ssyncadd.s32 $0xFFFFC000  }
0x6f: {  	[spmem:s2] =	stream.indirect.scatter.add.f32 [tilespmem:s0], [sflag:$0x7], $0x80, s19, s30, $0xb8;
	[tilespmem:$0x1C400] =	vst v63  }
0x70: {  	s14 =	simm.s32 @!p0 $0x2;
	p1 =	sne.s32 s5, $0x0;
	_ =	swait.ge [sflag:s23], $0x4000  }
.Ltmp0:
0x71: {  	p2 =	sle.u32 s6, $0x7;
	[sflag:s23] =	ssyncset.done $0x0;
	(pc) =	sbr.rel @!p1 .LBB2_3-.Ltmp0, $4  }
0x72: {  	s11 =	simm.s32 @!p2 $0x300;
	s10 =	simm.s32 @!p2 $0x0;
	[sflag:s23] =	ssyncadd.s32 $0xFFFFC000  }
0x73: {  	[tilespmem:s11], [sflag:$0x4] =	stream.linear.gather @!p2 [hbm4b:s20+s10], $0x100, $0x38;
	[tilespmem:$0x1C400] =	vst v63  }
0x74: {  	s9 =	simm.s32 $0x4;
	s19 =	smov.u32 s12;
	_ =	swait.ge @!p0 [sflag:s14], $0x100  }
0x75: {  	s10 =	sadd.s32 $0x80, s20;
	s11 =	sadd.s32 $0x80, s21;
	[sflag:s14] =	ssyncset.done @!p0 $0x0  }
.LBB2_2:
0x76: {  	[sflag:s14] =	ssyncadd.s32 @!p0 $0xFFFFFF00  }
0x77: {  	[tilespmem:s16], [sflag:$0x6] =	stream.indirect.gather @!p0 [hbm4b:s1+s15], $0x80, s13, s15, $0xb8;
	[tilespmem:$0x1C400] =	vst v63  }
0x78: {  	_ =	swait.ge [sflag:s3], $0x4000  }
0x79: {  	[sflag:s3] =	ssyncset.done $0x0  }
0x7a: {  	s19 =	sadd.s32 $0x80, s19;
	[sflag:s3] =	ssyncadd.s32 $0xFFFFC000  }
0x7b: {  	[spmem:s2] =	stream.indirect.scatter.add.f32 [tilespmem:s22], [sflag:$0x7], $0x80, s30, s30, $0xb8;
	[tilespmem:$0x1C400] =	vst v63  }
0x7c: {  	s14 =	smov.u32 s9;
	s9 =	sadd.s32 $0x4, s9;
	_ =	swait.ge [sflag:s23], $0x4000  }
0x7d: {  	p2 =	sge.u32 s9, s6;
	[sflag:s23] =	ssyncset.done $0x0;
	s16 =	rddreg [dreg:$0x5]  }
0x7e: {  	s15 =	simm.s32 @!p2 $0x0;
	[sflag:s23] =	ssyncadd.s32 $0xFFFFC000;
	p0 =	sge.u32 s14, s16  }
0x7f: {  	[tilespmem:s15], [sflag:$0x1] =	stream.linear.gather @!p2 [hbm4b:s19+s15], $0x100, $0x38;
	[tilespmem:$0x1C400] =	vst v63  }
0x80: {  	s13 =	simm.s32 @!p0 $0x3  }
0x81: {  	_ =	swait.ge @!p0 [sflag:s13], $0x100  }
0x82: {  	s16 =	simm.s32 @!p0 $0x400;
	[sflag:s13] =	ssyncset.done @!p0 $0x0  }
0x83: {  	s17 =	simm.s32 @!p0 $0x200;
	[sflag:s13] =	ssyncadd.s32 @!p0 $0xFFFFFF00;
	s13 =	simm.s32 @!p0 $0x80  }
0x84: {  	[tilespmem:s16], [sflag:$0x5] =	stream.indirect.gather @!p0 [hbm4b:s1+s13], $0x80, s17, s13, $0xb8;
	[tilespmem:$0x1C400] =	vst v63  }
0x85: {  	_ =	swait.ge [sflag:s26], $0x4000  }
0x86: {  	[sflag:s26] =	ssyncset.done $0x0  }
0x87: {  	s18 =	sadd.s32 $0x5, s14;
	s17 =	rddreg [dreg:$0x6];
	[sflag:s26] =	ssyncadd.s32 $0xFFFFC000  }
0x88: {  	[spmem:s2] =	stream.indirect.scatter.add.f32 [tilespmem:s0], [sflag:$0x7], $0x80, s17, s30, $0xb8;
	[tilespmem:$0x1C400] =	vst v63  }
0x89: {  	p0 =	sge.u32 s18, s6;
	_ =	swait.ge [sflag:s23], $0x4000  }
0x8a: {  	s18 =	simm.s32 @!p0 $0x0;
	s24 =	rddreg [dreg:$0x7]  }
0x8b: {  	s13 =	simm.s32 @!p0 $0x100;
	[sflag:s23] =	ssyncset.done $0x0;
	p3 =	sge.u32 s14, s24  }
0x8c: {  	s17 =	sadd.s32 @!p0 $0xFFFFFFC0, s10;
	[sflag:s23] =	ssyncadd.s32 $0xFFFFC000;
	s16 =	simm.s32 @!p3 $0x4  }
0x8d: {  	[tilespmem:s13], [sflag:$0x2] =	stream.linear.gather @!p0 [hbm4b:s17+s18], $0x100, $0x38;
	[tilespmem:$0x1C400] =	vst v63  }
0x8e: {  	_ =	swait.ge @!p3 [sflag:s16], $0x100  }
0x8f: {  	s17 =	simm.s32 @!p3 $0x4400;
	[sflag:s16] =	ssyncset.done @!p3 $0x0  }
0x90: {  	s18 =	simm.s32 @!p3 $0x80;
	s24 =	simm.s32 @!p3 $0x300;
	[sflag:s16] =	ssyncadd.s32 @!p3 $0xFFFFFF00  }
0x91: {  	[tilespmem:s17], [sflag:$0x6] =	stream.indirect.gather @!p3 [hbm4b:s1+s18], $0x80, s24, s18, $0xb8;
	[tilespmem:$0x1C400] =	vst v63  }
0x92: {  	_ =	swait.ge [sflag:s3], $0x4000  }
0x93: {  	[sflag:s3] =	ssyncset.done $0x0  }
0x94: {  	s17 =	rddreg [dreg:$0x8];
	[sflag:s3] =	ssyncadd.s32 $0xFFFFC000  }
0x95: {  	[spmem:s2] =	stream.indirect.scatter.add.f32 [tilespmem:s22], [sflag:$0x7], $0x80, s17, s30, $0xb8;
	[tilespmem:$0x1C400] =	vst v63  }
0x96: {  	s18 =	sadd.s32 $0x6, s14;
	_ =	swait.ge [sflag:s23], $0x4000  }
0x97: {  	p3 =	sge.u32 s18, s6;
	s18 =	simm.s32 @!p2 $0x1;
	[sflag:s23] =	ssyncset.done $0x0  }
0x98: {  	s16 =	simm.s32 @!p3 $0x0;
	s17 =	simm.s32 @!p3 $0x200;
	[sflag:s23] =	ssyncadd.s32 $0xFFFFC000  }
0x99: {  	[tilespmem:s17], [sflag:$0x3] =	stream.linear.gather @!p3 [hbm4b:s11+s16], $0x100, $0x38;
	[tilespmem:$0x1C400] =	vst v63  }
0x9a: {  	_ =	swait.ge @!p2 [sflag:s18], $0x100  }
0x9b: {  	[sflag:s18] =	ssyncset.done @!p2 $0x0  }
0x9c: {  	s16 =	simm.s32 @!p2 $0x80;
	s17 =	simm.s32 @!p2 $0x400;
	[sflag:s18] =	ssyncadd.s32 @!p2 $0xFFFFFF00  }
0x9d: {  	[tilespmem:s17], [sflag:$0x5] =	stream.indirect.gather @!p2 [hbm4b:s1+s16], $0x80, s15, s16, $0xb8;
	[tilespmem:$0x1C400] =	vst v63  }
0x9e: {  	_ =	swait.ge [sflag:s26], $0x4000  }
0x9f: {  	s5 =	sadd.s32 $0xFFFFFFFF, s5;
	[sflag:s26] =	ssyncset.done $0x0  }
0xa0: {  	s14 =	sadd.s32 $0x7, s14;
	s24 =	rddreg [dreg:$0x9];
	[sflag:s26] =	ssyncadd.s32 $0xFFFFC000  }
0xa1: {  	[spmem:s2] =	stream.indirect.scatter.add.f32 [tilespmem:s0], [sflag:$0x7], $0x80, s24, s30, $0xb8;
	[tilespmem:$0x1C400] =	vst v63  }
0xa2: {  	p1 =	sne.s32 s5, $0x0;
	p2 =	sge.u32 s14, s6;
	_ =	swait.ge [sflag:s23], $0x4000  }
.Ltmp1:
0xa3: {  	s14 =	simm.s32 @!p0 $0x2;
	[sflag:s23] =	ssyncset.done $0x0;
	(pc) =	sbr.rel @p1 .LBB2_2-.Ltmp1, $4  }
0xa4: {  	s15 =	simm.s32 @!p2 $0x0;
	s16 =	simm.s32 @!p2 $0x300;
	[sflag:s23] =	ssyncadd.s32 $0xFFFFC000  }
0xa5: {  	[tilespmem:s16], [sflag:$0x4] =	stream.linear.gather @!p2 [hbm4b:s10+s15], $0x100, $0x38;
	[tilespmem:$0x1C400] =	vst v63  }
0xa6: {  	s11 =	sadd.s32 $0x80, s11;
	s10 =	sadd.s32 $0x80, s10;
	_ =	swait.ge @!p0 [sflag:s14], $0x100  }
0xa7: {  	s15 =	simm.s32 @!p0 $0x80;
	s16 =	simm.s32 @!p0 $0x4400;
	[sflag:s14] =	ssyncset.done @!p0 $0x0  }
.LBB2_3:
0xa8: {  	[sflag:s14] =	ssyncadd.s32 @!p0 $0xFFFFFF00;
	s5 =	stileid.u32  }
0xa9: {  	[tilespmem:s16], [sflag:$0x6] =	stream.indirect.gather @!p0 [hbm4b:s1+s15], $0x80, s13, s15, $0xb8;
	[tilespmem:$0x1C400] =	vst v63  }
0xaa: {  	s5 =	sshll.u32 s5, $0x6;
	[bflag:$0x0] =	sbarrier.arrive $0xFFFF  }
0xab: {  	s5 =	sor.u32 $0x1C07, s5;
	s9 =	rddreg [dreg:$0xf]  }
0xac: {  	[hbm:s9], [sflag:s5] =	dma.local [spmem:s25], $0x2780  }
0xad: {  	_ =	swait.ge [sflag:s23], $0x2780  }
0xae: {  	s28 =	sadd.s32 $0x1, s28;
	s24 =	rddreg [dreg:$0x10]  }
0xaf: {  	p0 =	sne.s32 s28, s24  }
.Ltmp2:
0xb0: {  	_ = 	snop;
	(pc) =	sbr.rel @p0 .LBB2_1-.Ltmp2, $3  }
0xb1: {  	_ =	sdelay $0x1  }
0xb2: {  	[sflag:s23] =	ssyncset.done $0x0  }
0xb3: {  	[sflag:s23] =	ssyncadd.s32 $0xFFFFD880  }
0xb4: {  	_ =	sfence.sel $0x180000  }
0xb5: {  	[bflag:$0x0] =	sbarrier.arrive $0xFFFF  }
0xb6: {  	_ =	strace $0x90000047  }
0xb7: {  	s0 =	stileid.u32;
	[bflag:$0x2] =	sbarrier.arrive $0xFFFF  }
0xb8: {  	p0 =	sne.s32 s0, $0x0;
	s0 =	rddreg [dreg:$0x4]  }
0xb9: {  	s0 =	sadd.s32 @!p0 $0x100000, s0  }
0xba: {  	[sflag:s0] =	ssyncadd.tile.s32 @!p0 $0x1;
	_ =	shalt  }
.Lfunc_end2:
_tile_overlayer_lowered:
.L_overlay_start_2:
0xbb: {  	(tag) =	ssettag $0x2  }
0xbc: {  	s0 =	rddreg [dreg:$0x0];
	s2 =	stileid.u32  }
0xbd: {  	s1 =	rddreg [dreg:$0x1];
	p0 =	sne.s32 s2, $0x0  }
0xbe: {  	s3 =	rddreg [dreg:$0x2];
	[bflag:$0x3] =	sbarrier.arrive $0xFFFF;
	s2 =	simm.s32 @!p0 $0x1C07  }
0xbf: {  	[timem:s3], [sflag:s2] =	dma.local @!p0 [hbm:s0], s1  }
0xc0: {  	s0 =	simm.s32 @!p0 $0x7  }
0xc1: {  	_ =	swait.ge @!p0 [sflag:s0], s1  }
0xc2: {  	s1 =	ssub.s32 @!p0 $0x0, s1;
	[sflag:s0] =	ssyncset.done @!p0 $0x0  }
0xc3: {  	[sflag:s0] =	ssyncadd.s32 @!p0 s1  }
0xc4: {  	[bflag:$0x3] =	sbarrier.arrive $0xFFFF  }
0xc5: {  	_ =	shalt  }

</sc_bundles>
